<compile_context>
chip_gen: v7x
topology: tpu7x:2x2x1
jax: 0.10.2.dev20260603
libtpu: 0.0.44.dev20260713+nightly
codegen_flags: <defaults>
</compile_context>

<pallas_src>
import functools

import jax
import jax.numpy as jnp
from jax import lax
from jax.experimental import pallas as pl
from jax.experimental.pallas import tpu as pltpu
from jax.experimental.pallas import tpu_sc as plsc

N_RNA = 1927
N = 10000
D = 128
E = 320000
EPS = 1e-5

NPAD = 10240
EPAD = 327680
EROWS = EPAD // 128
TROWS = EROWS // 32
ACC_ROWS = NPAD // 16

_MESH = plsc.VectorSubcoreMesh(
    core_axis_name="c", subcore_axis_name="s", num_cores=2, num_subcores=16)



@functools.partial(
    pl.kernel,
    out_type=jax.ShapeDtypeStruct((2, NPAD, D), jnp.float32),
    mesh=_MESH,
    scratch_types=[
        pltpu.VMEM((TROWS, 128), jnp.int32),
        pltpu.VMEM((128, D), jnp.float32),
        pltpu.VMEM_SHARED((NPAD, D), jnp.float32),
    ],
)
def _deg_kernel(dst_hbm, out_hbm, idx_v, buf, acc):
    cid = lax.axis_index("c")
    sid = lax.axis_index("s")
    wid = sid * 2 + cid

    z16 = jnp.zeros((16,), jnp.float32)

    def zrow(i, _):
        def zcol(k, _):
            buf[i, pl.ds(k * 16, 16)] = z16
            return 0
        lax.fori_loop(0, D // 16, zcol, 0)
        return 0

    lax.fori_loop(0, 128, zrow, 0)
    for j in range(ACC_ROWS // 128):
        pltpu.sync_copy(buf, acc.at[pl.ds(sid * ACC_ROWS + j * 128, 128)])

    o16 = jnp.ones((16,), jnp.float32)

    def orow(i, _):
        def ocol(k, _):
            buf[i, pl.ds(k * 16, 16)] = o16
            return 0
        lax.fori_loop(0, D // 16, ocol, 0)
        return 0

    lax.fori_loop(0, 128, orow, 0)
    plsc.subcore_barrier()

    pltpu.sync_copy(dst_hbm.at[pl.ds(wid * TROWS, TROWS)], idx_v)

    def edge_chunk(i, _):
        pltpu.sync_copy(buf, acc.at[idx_v.at[i]], add=True)
        return 0

    lax.fori_loop(0, TROWS, edge_chunk, 0)
    plsc.subcore_barrier()

    pltpu.sync_copy(
        acc.at[pl.ds(sid * ACC_ROWS, ACC_ROWS)],
        out_hbm.at[cid, pl.ds(sid * ACC_ROWS, ACC_ROWS)])


@functools.partial(
    pl.kernel,
    out_type=jax.ShapeDtypeStruct((2, NPAD, D), jnp.float32),
    mesh=_MESH,
    scratch_types=[
        pltpu.VMEM((40, 128), jnp.int32),
        pltpu.VMEM((40, 128), jnp.int32),
        pltpu.VMEM((128, D), jnp.float32),
        pltpu.VMEM((128, D), jnp.float32),
        pltpu.VMEM_SHARED((NPAD, D), jnp.float32),
        pltpu.SemaphoreType.DMA,
        pltpu.SemaphoreType.DMA,
    ],
)
def _agg_kernel(g_hbm, src_hbm, dst_hbm, out_hbm, src_v, dst_v, buf0, buf1,
                acc, gs0, gs1):
    cid = lax.axis_index("c")
    sid = lax.axis_index("s")
    wid = sid * 2 + cid

    z16 = jnp.zeros((16,), jnp.float32)

    def zrow(i, _):
        def zcol(k, _):
            buf0[i, pl.ds(k * 16, 16)] = z16
            return 0
        lax.fori_loop(0, D // 16, zcol, 0)
        return 0

    lax.fori_loop(0, 128, zrow, 0)
    for j in range(ACC_ROWS // 128):
        pltpu.sync_copy(buf0, acc.at[pl.ds(sid * ACC_ROWS + j * 128, 128)])
    plsc.subcore_barrier()

    def half_body(h, _):
        pltpu.sync_copy(
            src_hbm.at[pl.ds(wid * TROWS + h * 40, 40)], src_v)
        pltpu.sync_copy(
            dst_hbm.at[pl.ds(wid * TROWS + h * 40, 40)], dst_v)

        def pair(p, _):
            r = p * 2
            c0 = pltpu.async_copy(g_hbm.at[src_v.at[r]], buf0, gs0)
            c1 = pltpu.async_copy(g_hbm.at[src_v.at[r + 1]], buf1, gs1)
            c0.wait()
            pltpu.sync_copy(buf0, acc.at[dst_v.at[r]], add=True)
            c1.wait()
            pltpu.sync_copy(buf1, acc.at[dst_v.at[r + 1]], add=True)
            return 0

        lax.fori_loop(0, 20, pair, 0)
        return 0

    lax.fori_loop(0, 2, half_body, 0)
    plsc.subcore_barrier()

    pltpu.sync_copy(
        acc.at[pl.ds(sid * ACC_ROWS, ACC_ROWS)],
        out_hbm.at[cid, pl.ds(sid * ACC_ROWS, ACC_ROWS)])



_BM = 256
_GRID = NPAD // _BM


def _dis_from_deg(d0, d1):
    deg = (d0 + d1)[:, 0:1] + 1.0
    return lax.rsqrt(deg)


def _mm_scale_body(x_ref, w_ref, d0_ref, d1_ref, o_ref):
    dis = _dis_from_deg(d0_ref[0], d1_ref[0])
    o_ref[...] = jnp.dot(
        x_ref[...], w_ref[...], preferred_element_type=jnp.float32) * dis


def _mm_scale(x, w, dp):
    return pl.pallas_call(
        _mm_scale_body,
        grid=(_GRID,),
        in_specs=[
            pl.BlockSpec((_BM, D), lambda i: (i, 0)),
            pl.BlockSpec((D, D), lambda i: (0, 0)),
            pl.BlockSpec((1, _BM, D), lambda i: (0, i, 0)),
            pl.BlockSpec((1, _BM, D), lambda i: (1, i, 0)),
        ],
        out_specs=pl.BlockSpec((_BM, D), lambda i: (i, 0)),
        out_shape=jax.ShapeDtypeStruct((NPAD, D), jnp.float32),
    )(x, w, dp, dp)


def _combine_stats_body(p0_ref, p1_ref, g_ref, d0_ref, d1_ref, b_ref,
                        t_ref, sum_ref, sq_ref):
    i = pl.program_id(0)
    dis = _dis_from_deg(d0_ref[0], d1_ref[0])
    t = (p0_ref[0] + p1_ref[0] + g_ref[...]) * dis + b_ref[...]
    t_ref[...] = t
    row = i * _BM + lax.broadcasted_iota(jnp.int32, (_BM, 1), 0)
    tm = jnp.where(row < N, t, 0.0)

    @pl.when(i == 0)
    def _():
        sum_ref[...] = jnp.zeros_like(sum_ref)
        sq_ref[...] = jnp.zeros_like(sq_ref)

    sum_ref[...] += jnp.sum(tm, axis=0, keepdims=True)
    sq_ref[...] += jnp.sum(tm * tm, axis=0, keepdims=True)


def _combine_stats(p, g, dp, b):
    return pl.pallas_call(
        _combine_stats_body,
        grid=(_GRID,),
        in_specs=[
            pl.BlockSpec((1, _BM, D), lambda i: (0, i, 0)),
            pl.BlockSpec((1, _BM, D), lambda i: (1, i, 0)),
            pl.BlockSpec((_BM, D), lambda i: (i, 0)),
            pl.BlockSpec((1, _BM, D), lambda i: (0, i, 0)),
            pl.BlockSpec((1, _BM, D), lambda i: (1, i, 0)),
            pl.BlockSpec((1, D), lambda i: (0, 0)),
        ],
        out_specs=[
            pl.BlockSpec((_BM, D), lambda i: (i, 0)),
            pl.BlockSpec((1, D), lambda i: (0, 0)),
            pl.BlockSpec((1, D), lambda i: (0, 0)),
        ],
        out_shape=[
            jax.ShapeDtypeStruct((NPAD, D), jnp.float32),
            jax.ShapeDtypeStruct((1, D), jnp.float32),
            jax.ShapeDtypeStruct((1, D), jnp.float32),
        ],
    )(p, p, g, dp, dp, b)


def _bn_relu_mm_body(t_ref, s_ref, q_ref, gam_ref, bet_ref, w_ref, d0_ref,
                     d1_ref, o_ref):
    i = pl.program_id(0)
    mean = s_ref[...] / N
    var = q_ref[...] / N - mean * mean
    inv = lax.rsqrt(var + EPS)
    y = (t_ref[...] - mean) * inv * gam_ref[...] + bet_ref[...]
    y = jnp.maximum(y, 0.0)
    row = i * _BM + lax.broadcasted_iota(jnp.int32, (_BM, 1), 0)
    dis = jnp.where(row < N, _dis_from_deg(d0_ref[0], d1_ref[0]), 0.0)
    o_ref[...] = jnp.dot(
        y * dis, w_ref[...], preferred_element_type=jnp.float32)


def _bn_relu_mm(t, s, q, gamma, beta, w, dp):
    return pl.pallas_call(
        _bn_relu_mm_body,
        grid=(_GRID,),
        in_specs=[
            pl.BlockSpec((_BM, D), lambda i: (i, 0)),
            pl.BlockSpec((1, D), lambda i: (0, 0)),
            pl.BlockSpec((1, D), lambda i: (0, 0)),
            pl.BlockSpec((1, D), lambda i: (0, 0)),
            pl.BlockSpec((1, D), lambda i: (0, 0)),
            pl.BlockSpec((D, D), lambda i: (0, 0)),
            pl.BlockSpec((1, _BM, D), lambda i: (0, i, 0)),
            pl.BlockSpec((1, _BM, D), lambda i: (1, i, 0)),
        ],
        out_specs=pl.BlockSpec((_BM, D), lambda i: (i, 0)),
        out_shape=jax.ShapeDtypeStruct((NPAD, D), jnp.float32),
    )(t, s, q, gamma, beta, w, dp, dp)


def _bn_final_body(t_ref, s_ref, q_ref, gam_ref, bet_ref, o_ref):
    mean = s_ref[...] / N
    var = q_ref[...] / N - mean * mean
    inv = lax.rsqrt(var + EPS)
    o_ref[...] = (t_ref[...] - mean) * inv * gam_ref[...] + bet_ref[...]


def _bn_final(t, s, q, gamma, beta):
    return pl.pallas_call(
        _bn_final_body,
        grid=(_GRID,),
        in_specs=[
            pl.BlockSpec((_BM, D), lambda i: (i, 0)),
            pl.BlockSpec((1, D), lambda i: (0, 0)),
            pl.BlockSpec((1, D), lambda i: (0, 0)),
            pl.BlockSpec((1, D), lambda i: (0, 0)),
            pl.BlockSpec((1, D), lambda i: (0, 0)),
        ],
        out_specs=pl.BlockSpec((_BM, D), lambda i: (i, 0)),
        out_shape=jax.ShapeDtypeStruct((NPAD, D), jnp.float32),
    )(t, s, q, gamma, beta)



def kernel(x, W1, b1, gamma1, beta1, W2, b2, gamma2, beta2, edge_index):
    pad_e = EPAD - E
    src = jnp.concatenate(
        [edge_index[0], jnp.full((pad_e,), N, jnp.int32)])
    dst = jnp.concatenate(
        [edge_index[1], jnp.full((pad_e,), N, jnp.int32)])
    src2d = src.reshape(EROWS, 128)
    dst2d = dst.reshape(EROWS, 128)

    x_p = jnp.pad(x, ((0, NPAD - N), (0, 0)))
    b1r = b1.reshape(1, D)
    b2r = b2.reshape(1, D)
    g1r = gamma1.reshape(1, D)
    g2r = gamma2.reshape(1, D)
    be1 = beta1.reshape(1, D)
    be2 = beta2.reshape(1, D)

    dp = _deg_kernel(dst2d)

    g1 = _mm_scale(x_p, W1, dp)
    p1 = _agg_kernel(g1, src2d, dst2d)
    t1, s1, q1 = _combine_stats(p1, g1, dp, b1r)
    g2 = _bn_relu_mm(t1, s1, q1, g1r, be1, W2, dp)
    p2 = _agg_kernel(g2, src2d, dst2d)
    t2, s2, q2 = _combine_stats(p2, g2, dp, b2r)
    out = _bn_final(t2, s2, q2, g2r, be2)

    h = out[:N]
    return (h[:N_RNA], h[N_RNA:])

# --- scband reference (transcript-rebuilt; emitter-appended) ---
"""Pipeline reference for scband-gnndecoder-20229295964576 (READ-ONLY COPY).

The authoritative reference and input builder live on the scoring server;
editing this copy changes nothing except your own understanding.
"""

import jax, jax.numpy as jnp
import numpy as np

NUM_RNA = 1927
N_NODES = 10000
N_EDGES = 320000
D_IN = 128
D_HID = 128
D_OUT = 128
EPS = 1e-5


def _xavier(key, shape):
    a = float(np.sqrt(6.0 / (shape[0] + shape[1])))
    return jax.random.uniform(key, shape, minval=-a, maxval=a, dtype=jnp.float32)


def setup_inputs(seed: int = 0):
    key = jax.random.key(seed)
    ks = jax.random.split(key, 4)
    x = jax.random.normal(ks[0], (N_NODES, D_IN), dtype=jnp.float32)
    edge_index = jax.random.randint(ks[1], (2, N_EDGES), 0, N_NODES, dtype=jnp.int32)
    W1 = _xavier(ks[2], (D_IN, D_HID))
    b1 = jnp.zeros((D_HID,), jnp.float32)
    gamma1 = jnp.ones((D_HID,), jnp.float32)
    beta1 = jnp.zeros((D_HID,), jnp.float32)
    W2 = _xavier(ks[3], (D_HID, D_OUT))
    b2 = jnp.zeros((D_OUT,), jnp.float32)
    gamma2 = jnp.ones((D_OUT,), jnp.float32)
    beta2 = jnp.zeros((D_OUT,), jnp.float32)
    return {"x": x, "W1": W1, "b1": b1, "gamma1": gamma1, "beta1": beta1,
            "W2": W2, "b2": b2, "gamma2": gamma2, "beta2": beta2,
            "edge_index": edge_index}


def _gcn_conv(x, src, dst, norm, W, b):
    # PyG GCNConv: x' = D^{-1/2}(A+I)D^{-1/2} X W + b
    h = x @ W
    msg = h[src] * norm[:, None]
    out = jnp.zeros((N_NODES, h.shape[1]), h.dtype).at[dst].add(msg)
    return out + b


def _batch_norm(x, gamma, beta):
    # BatchNorm1d in training mode: batch statistics, biased variance
    mean = jnp.mean(x, axis=0)
    var = jnp.mean((x - mean) ** 2, axis=0)
    return (x - mean) / jnp.sqrt(var + EPS) * gamma + beta


def reference(x, W1, b1, gamma1, beta1, W2, b2, gamma2, beta2, edge_index):
    loop = jnp.arange(N_NODES, dtype=edge_index.dtype)
    src = jnp.concatenate([edge_index[0], loop])
    dst = jnp.concatenate([edge_index[1], loop])
    deg = jnp.zeros((N_NODES,), jnp.float32).at[dst].add(1.0)
    dis = jnp.where(deg > 0, jax.lax.rsqrt(deg), 0.0)
    norm = dis[src] * dis[dst]
    h = _gcn_conv(x, src, dst, norm, W1, b1)
    h = _batch_norm(h, gamma1, beta1)
    h = jax.nn.relu(h)
    h = _gcn_conv(h, src, dst, norm, W2, b2)
    h = _batch_norm(h, gamma2, beta2)
    RNA_emb = h[:NUM_RNA]
    drug_emb = h[NUM_RNA:]
    return (RNA_emb, drug_emb)

if __name__ == "__main__":
    import jax
    _d = setup_inputs()
    print(jax.jit(kernel)(*tuple(_d.values())))

</pallas_src>

<mosaic_0001>
#map = affine_map<(d0, d1) -> (0, 0)>
#map1 = affine_map<(d0, d1) -> (0, 0, 0)>
module attributes {stable_mosaic.version = 14 : i64} {
  func.func @_deg_kernel(%arg0: i32, %arg1: i32, %arg2: memref<2560x128xi32, #tpu.memory_space<hbm>>, %arg3: memref<2x10240x128xf32, #tpu.memory_space<hbm>>, %arg4: memref<80x128xi32, #tpu.memory_space<vmem>>, %arg5: memref<128x128xf32, #tpu.memory_space<vmem>>, %arg6: memref<10240x128xf32, #tpu.memory_space<vmem_shared>>) attributes {dimension_semantics = [#tpu.dimension_semantics<core_parallel>, #tpu.dimension_semantics<subcore_parallel>], iteration_bounds = array<i64: 2, 16>, scalar_prefetch = 0 : i64, scratch_operands = 3 : i64, tpu.core_type = #tpu.core_type<sc_vector_subcore>, window_params = [{transform_indices = #map}, {transform_indices = #map1}]} {
    %mul3A = arith.constant 2 : i32
    %mul3A_0 = arith.muli %arg1, %mul3A : i32
    %add3A = arith.addi %mul3A_0, %arg0 : i32
    %broadcast_in_dim3A = arith.constant 0.000000e+00 : f32
    %broadcast_in_dim3A_1 = vector.broadcast %broadcast_in_dim3A : f32 to vector<16xf32>
    %scan3A = arith.constant 0 : i32
    %scan3A_2 = arith.constant 0 : i32
    %scan3A_3 = arith.constant 128 : i32
    %scan3A_4 = arith.addi %scan3A_2, %scan3A_3 : i32
    %scan3A_5 = arith.constant 1 : i32
    %scan3A_6 = scf.for %scan3A_51 = %scan3A_2 to %scan3A_4 step %scan3A_5 iter_args(%scan3A_52 = %scan3A) -> (i32)  : i32 {
      %scan3A_53 = arith.constant 0 : i32
      %scan3A_54 = arith.constant 0 : i32
      %scan3A_55 = arith.constant 8 : i32
      %scan3A_56 = arith.addi %scan3A_54, %scan3A_55 : i32
      %scan3A_57 = arith.constant 1 : i32
      %scan3A_58 = scf.for %scan3A_61 = %scan3A_54 to %scan3A_56 step %scan3A_57 iter_args(%scan3A_62 = %scan3A_53) -> (i32)  : i32 {
        %mul3A_63 = arith.constant 16 : i32
        %mul3A_64 = arith.muli %scan3A_61, %mul3A_63 : i32
        %swap3A = arith.index_cast %scan3A_51 : i32 to index
        %swap3A_65 = arith.index_cast %mul3A_64 : i32 to index
        %swap3A_66 = tpu.vector_load %arg5[%swap3A, %swap3A_65] {strides = array<i32>} : memref<128x128xf32, #tpu.memory_space<vmem>>, vector<1x16xf32>,
        %swap3A_67 = vector.shape_cast %swap3A_66 : vector<1x16xf32> to vector<16xf32>
        %swap3A_68 = vector.shape_cast %broadcast_in_dim3A_1 : vector<16xf32> to vector<1x16xf32>
        tpu.vector_store %arg5[%swap3A, %swap3A_65], %swap3A_68 {strides = array<i32>} : memref<128x128xf32, #tpu.memory_space<vmem>>, vector<1x16xf32>,
        %scan3A_69 = arith.constant 0 : i32
        scf.yield %scan3A_69 : i32
      }
      %scan3A_59 = arith.constant 8 : i32
      %scan3A_60 = arith.constant 0 : i32
      scf.yield %scan3A_60 : i32
    }
    %scan3A_7 = arith.constant 128 : i32
    %mul3A_8 = arith.constant 640 : i32
    %mul3A_9 = arith.muli %arg1, %mul3A_8 : i32
    %add3A_10 = arith.constant 0 : i32
    %add3A_11 = arith.addi %mul3A_9, %add3A_10 : i32
    "tpu.region"() ({
      %run_scoped3A = tpu.sem_alloc : memref<!tpu.dma_semaphore, #tpu.memory_space<semaphore_mem>>
      %dma_start3A = arith.constant 0 : i32
      %dma_start3A_51 = tpu.memref_slice %arg6[%add3A_11, %dma_start3A] : memref<10240x128xf32, #tpu.memory_space<vmem_shared>> -> memref<128x128xf32, #tpu.memory_space<vmem_shared>>
      %dma_start3A_52 = arith.constant 0 : i32
      %dma_start3A_53 = tpu.memref_slice %arg6[%add3A_11, %dma_start3A_52] : memref<10240x128xf32, #tpu.memory_space<vmem_shared>> -> memref<128x128xf32, #tpu.memory_space<vmem_shared>>
      tpu.enqueue_dma source(%arg5 : memref<128x128xf32, #tpu.memory_space<vmem>>) target(%dma_start3A_53 : memref<128x128xf32, #tpu.memory_space<vmem_shared>>) target_semaphore(%run_scoped3A : memref<!tpu.dma_semaphore, #tpu.memory_space<semaphore_mem>>)
      %dma_wait3A = arith.constant 0 : i32
      %dma_wait3A_54 = tpu.memref_slice %arg6[%add3A_11, %dma_wait3A] : memref<10240x128xf32, #tpu.memory_space<vmem_shared>> -> memref<128x128xf32, #tpu.memory_space<vmem_shared>>
      %dma_wait3A_55 = arith.constant 0 : i32
      %dma_wait3A_56 = tpu.memref_slice %arg6[%add3A_11, %dma_wait3A_55] : memref<10240x128xf32, #tpu.memory_space<vmem_shared>> -> memref<128x128xf32, #tpu.memory_space<vmem_shared>>
      tpu.wait_dma2 semaphore(%run_scoped3A : memref<!tpu.dma_semaphore, #tpu.memory_space<semaphore_mem>>) src(%arg5 : memref<128x128xf32, #tpu.memory_space<vmem>>) dst(%dma_wait3A_56 : memref<128x128xf32, #tpu.memory_space<vmem_shared>>)
      tpu.yield
    }) : () -> ()
    %mul3A_12 = arith.constant 640 : i32
    %mul3A_13 = arith.muli %arg1, %mul3A_12 : i32
    %add3A_14 = arith.constant 128 : i32
    %add3A_15 = arith.addi %mul3A_13, %add3A_14 : i32
    "tpu.region"() ({
      %run_scoped3A = tpu.sem_alloc : memref<!tpu.dma_semaphore, #tpu.memory_space<semaphore_mem>>
      %dma_start3A = arith.constant 0 : i32
      %dma_start3A_51 = tpu.memref_slice %arg6[%add3A_15, %dma_start3A] : memref<10240x128xf32, #tpu.memory_space<vmem_shared>> -> memref<128x128xf32, #tpu.memory_space<vmem_shared>>
      %dma_start3A_52 = arith.constant 0 : i32
      %dma_start3A_53 = tpu.memref_slice %arg6[%add3A_15, %dma_start3A_52] : memref<10240x128xf32, #tpu.memory_space<vmem_shared>> -> memref<128x128xf32, #tpu.memory_space<vmem_shared>>
      tpu.enqueue_dma source(%arg5 : memref<128x128xf32, #tpu.memory_space<vmem>>) target(%dma_start3A_53 : memref<128x128xf32, #tpu.memory_space<vmem_shared>>) target_semaphore(%run_scoped3A : memref<!tpu.dma_semaphore, #tpu.memory_space<semaphore_mem>>)
      %dma_wait3A = arith.constant 0 : i32
      %dma_wait3A_54 = tpu.memref_slice %arg6[%add3A_15, %dma_wait3A] : memref<10240x128xf32, #tpu.memory_space<vmem_shared>> -> memref<128x128xf32, #tpu.memory_space<vmem_shared>>
      %dma_wait3A_55 = arith.constant 0 : i32
      %dma_wait3A_56 = tpu.memref_slice %arg6[%add3A_15, %dma_wait3A_55] : memref<10240x128xf32, #tpu.memory_space<vmem_shared>> -> memref<128x128xf32, #tpu.memory_space<vmem_shared>>
      tpu.wait_dma2 semaphore(%run_scoped3A : memref<!tpu.dma_semaphore, #tpu.memory_space<semaphore_mem>>) src(%arg5 : memref<128x128xf32, #tpu.memory_space<vmem>>) dst(%dma_wait3A_56 : memref<128x128xf32, #tpu.memory_space<vmem_shared>>)
      tpu.yield
    }) : () -> ()
    %mul3A_16 = arith.constant 640 : i32
    %mul3A_17 = arith.muli %arg1, %mul3A_16 : i32
    %add3A_18 = arith.constant 256 : i32
    %add3A_19 = arith.addi %mul3A_17, %add3A_18 : i32
    "tpu.region"() ({
      %run_scoped3A = tpu.sem_alloc : memref<!tpu.dma_semaphore, #tpu.memory_space<semaphore_mem>>
      %dma_start3A = arith.constant 0 : i32
      %dma_start3A_51 = tpu.memref_slice %arg6[%add3A_19, %dma_start3A] : memref<10240x128xf32, #tpu.memory_space<vmem_shared>> -> memref<128x128xf32, #tpu.memory_space<vmem_shared>>
      %dma_start3A_52 = arith.constant 0 : i32
      %dma_start3A_53 = tpu.memref_slice %arg6[%add3A_19, %dma_start3A_52] : memref<10240x128xf32, #tpu.memory_space<vmem_shared>> -> memref<128x128xf32, #tpu.memory_space<vmem_shared>>
      tpu.enqueue_dma source(%arg5 : memref<128x128xf32, #tpu.memory_space<vmem>>) target(%dma_start3A_53 : memref<128x128xf32, #tpu.memory_space<vmem_shared>>) target_semaphore(%run_scoped3A : memref<!tpu.dma_semaphore, #tpu.memory_space<semaphore_mem>>)
      %dma_wait3A = arith.constant 0 : i32
      %dma_wait3A_54 = tpu.memref_slice %arg6[%add3A_19, %dma_wait3A] : memref<10240x128xf32, #tpu.memory_space<vmem_shared>> -> memref<128x128xf32, #tpu.memory_space<vmem_shared>>
      %dma_wait3A_55 = arith.constant 0 : i32
      %dma_wait3A_56 = tpu.memref_slice %arg6[%add3A_19, %dma_wait3A_55] : memref<10240x128xf32, #tpu.memory_space<vmem_shared>> -> memref<128x128xf32, #tpu.memory_space<vmem_shared>>
      tpu.wait_dma2 semaphore(%run_scoped3A : memref<!tpu.dma_semaphore, #tpu.memory_space<semaphore_mem>>) src(%arg5 : memref<128x128xf32, #tpu.memory_space<vmem>>) dst(%dma_wait3A_56 : memref<128x128xf32, #tpu.memory_space<vmem_shared>>)
      tpu.yield
    }) : () -> ()
    %mul3A_20 = arith.constant 640 : i32
    %mul3A_21 = arith.muli %arg1, %mul3A_20 : i32
    %add3A_22 = arith.constant 384 : i32
    %add3A_23 = arith.addi %mul3A_21, %add3A_22 : i32
    "tpu.region"() ({
      %run_scoped3A = tpu.sem_alloc : memref<!tpu.dma_semaphore, #tpu.memory_space<semaphore_mem>>
      %dma_start3A = arith.constant 0 : i32
      %dma_start3A_51 = tpu.memref_slice %arg6[%add3A_23, %dma_start3A] : memref<10240x128xf32, #tpu.memory_space<vmem_shared>> -> memref<128x128xf32, #tpu.memory_space<vmem_shared>>
      %dma_start3A_52 = arith.constant 0 : i32
      %dma_start3A_53 = tpu.memref_slice %arg6[%add3A_23, %dma_start3A_52] : memref<10240x128xf32, #tpu.memory_space<vmem_shared>> -> memref<128x128xf32, #tpu.memory_space<vmem_shared>>
      tpu.enqueue_dma source(%arg5 : memref<128x128xf32, #tpu.memory_space<vmem>>) target(%dma_start3A_53 : memref<128x128xf32, #tpu.memory_space<vmem_shared>>) target_semaphore(%run_scoped3A : memref<!tpu.dma_semaphore, #tpu.memory_space<semaphore_mem>>)
      %dma_wait3A = arith.constant 0 : i32
      %dma_wait3A_54 = tpu.memref_slice %arg6[%add3A_23, %dma_wait3A] : memref<10240x128xf32, #tpu.memory_space<vmem_shared>> -> memref<128x128xf32, #tpu.memory_space<vmem_shared>>
      %dma_wait3A_55 = arith.constant 0 : i32
      %dma_wait3A_56 = tpu.memref_slice %arg6[%add3A_23, %dma_wait3A_55] : memref<10240x128xf32, #tpu.memory_space<vmem_shared>> -> memref<128x128xf32, #tpu.memory_space<vmem_shared>>
      tpu.wait_dma2 semaphore(%run_scoped3A : memref<!tpu.dma_semaphore, #tpu.memory_space<semaphore_mem>>) src(%arg5 : memref<128x128xf32, #tpu.memory_space<vmem>>) dst(%dma_wait3A_56 : memref<128x128xf32, #tpu.memory_space<vmem_shared>>)
      tpu.yield
    }) : () -> ()
    %mul3A_24 = arith.constant 640 : i32
    %mul3A_25 = arith.muli %arg1, %mul3A_24 : i32
    %add3A_26 = arith.constant 512 : i32
    %add3A_27 = arith.addi %mul3A_25, %add3A_26 : i32
    "tpu.region"() ({
      %run_scoped3A = tpu.sem_alloc : memref<!tpu.dma_semaphore, #tpu.memory_space<semaphore_mem>>
      %dma_start3A = arith.constant 0 : i32
      %dma_start3A_51 = tpu.memref_slice %arg6[%add3A_27, %dma_start3A] : memref<10240x128xf32, #tpu.memory_space<vmem_shared>> -> memref<128x128xf32, #tpu.memory_space<vmem_shared>>
      %dma_start3A_52 = arith.constant 0 : i32
      %dma_start3A_53 = tpu.memref_slice %arg6[%add3A_27, %dma_start3A_52] : memref<10240x128xf32, #tpu.memory_space<vmem_shared>> -> memref<128x128xf32, #tpu.memory_space<vmem_shared>>
      tpu.enqueue_dma source(%arg5 : memref<128x128xf32, #tpu.memory_space<vmem>>) target(%dma_start3A_53 : memref<128x128xf32, #tpu.memory_space<vmem_shared>>) target_semaphore(%run_scoped3A : memref<!tpu.dma_semaphore, #tpu.memory_space<semaphore_mem>>)
      %dma_wait3A = arith.constant 0 : i32
      %dma_wait3A_54 = tpu.memref_slice %arg6[%add3A_27, %dma_wait3A] : memref<10240x128xf32, #tpu.memory_space<vmem_shared>> -> memref<128x128xf32, #tpu.memory_space<vmem_shared>>
      %dma_wait3A_55 = arith.constant 0 : i32
      %dma_wait3A_56 = tpu.memref_slice %arg6[%add3A_27, %dma_wait3A_55] : memref<10240x128xf32, #tpu.memory_space<vmem_shared>> -> memref<128x128xf32, #tpu.memory_space<vmem_shared>>
      tpu.wait_dma2 semaphore(%run_scoped3A : memref<!tpu.dma_semaphore, #tpu.memory_space<semaphore_mem>>) src(%arg5 : memref<128x128xf32, #tpu.memory_space<vmem>>) dst(%dma_wait3A_56 : memref<128x128xf32, #tpu.memory_space<vmem_shared>>)
      tpu.yield
    }) : () -> ()
    %broadcast_in_dim3A_28 = arith.constant 1.000000e+00 : f32
    %broadcast_in_dim3A_29 = vector.broadcast %broadcast_in_dim3A_28 : f32 to vector<16xf32>
    %scan3A_30 = arith.constant 0 : i32
    %scan3A_31 = arith.constant 0 : i32
    %scan3A_32 = arith.constant 128 : i32
    %scan3A_33 = arith.addi %scan3A_31, %scan3A_32 : i32
    %scan3A_34 = arith.constant 1 : i32
    %scan3A_35 = scf.for %scan3A_51 = %scan3A_31 to %scan3A_33 step %scan3A_34 iter_args(%scan3A_52 = %scan3A_30) -> (i32)  : i32 {
      %scan3A_53 = arith.constant 0 : i32
      %scan3A_54 = arith.constant 0 : i32
      %scan3A_55 = arith.constant 8 : i32
      %scan3A_56 = arith.addi %scan3A_54, %scan3A_55 : i32
      %scan3A_57 = arith.constant 1 : i32
      %scan3A_58 = scf.for %scan3A_61 = %scan3A_54 to %scan3A_56 step %scan3A_57 iter_args(%scan3A_62 = %scan3A_53) -> (i32)  : i32 {
        %mul3A_63 = arith.constant 16 : i32
        %mul3A_64 = arith.muli %scan3A_61, %mul3A_63 : i32
        %swap3A = arith.index_cast %scan3A_51 : i32 to index
        %swap3A_65 = arith.index_cast %mul3A_64 : i32 to index
        %swap3A_66 = tpu.vector_load %arg5[%swap3A, %swap3A_65] {strides = array<i32>} : memref<128x128xf32, #tpu.memory_space<vmem>>, vector<1x16xf32>,
        %swap3A_67 = vector.shape_cast %swap3A_66 : vector<1x16xf32> to vector<16xf32>
        %swap3A_68 = vector.shape_cast %broadcast_in_dim3A_29 : vector<16xf32> to vector<1x16xf32>
        tpu.vector_store %arg5[%swap3A, %swap3A_65], %swap3A_68 {strides = array<i32>} : memref<128x128xf32, #tpu.memory_space<vmem>>, vector<1x16xf32>,
        %scan3A_69 = arith.constant 0 : i32
        scf.yield %scan3A_69 : i32
      }
      %scan3A_59 = arith.constant 8 : i32
      %scan3A_60 = arith.constant 0 : i32
      scf.yield %scan3A_60 : i32
    }
    %scan3A_36 = arith.constant 128 : i32
    %barrier3A = arith.constant 0 : index
    tpu.barrier barrier_id(%barrier3A)
    %mul3A_37 = arith.constant 80 : i32
    %mul3A_38 = arith.muli %add3A, %mul3A_37 : i32
    "tpu.region"() ({
      %run_scoped3A = tpu.sem_alloc : memref<!tpu.dma_semaphore, #tpu.memory_space<semaphore_mem>>
      %dma_start3A = arith.constant 0 : i32
      %dma_start3A_51 = tpu.memref_slice %arg2[%mul3A_38, %dma_start3A] : memref<2560x128xi32, #tpu.memory_space<hbm>> -> memref<80x128xi32, #tpu.memory_space<hbm>>
      %dma_start3A_52 = arith.constant 0 : i32
      %dma_start3A_53 = tpu.memref_slice %arg2[%mul3A_38, %dma_start3A_52] : memref<2560x128xi32, #tpu.memory_space<hbm>> -> memref<80x128xi32, #tpu.memory_space<hbm>>
      tpu.enqueue_dma source(%dma_start3A_53 : memref<80x128xi32, #tpu.memory_space<hbm>>) target(%arg4 : memref<80x128xi32, #tpu.memory_space<vmem>>) target_semaphore(%run_scoped3A : memref<!tpu.dma_semaphore, #tpu.memory_space<semaphore_mem>>)
      %dma_wait3A = arith.constant 0 : i32
      %dma_wait3A_54 = tpu.memref_slice %arg2[%mul3A_38, %dma_wait3A] : memref<2560x128xi32, #tpu.memory_space<hbm>> -> memref<80x128xi32, #tpu.memory_space<hbm>>
      %dma_wait3A_55 = arith.constant 0 : i32
      %dma_wait3A_56 = tpu.memref_slice %arg2[%mul3A_38, %dma_wait3A_55] : memref<2560x128xi32, #tpu.memory_space<hbm>> -> memref<80x128xi32, #tpu.memory_space<hbm>>
      tpu.wait_dma2 semaphore(%run_scoped3A : memref<!tpu.dma_semaphore, #tpu.memory_space<semaphore_mem>>) src(%dma_wait3A_56 : memref<80x128xi32, #tpu.memory_space<hbm>>) dst(%arg4 : memref<80x128xi32, #tpu.memory_space<vmem>>)
      tpu.yield
    }) : () -> ()
    %scan3A_39 = arith.constant 0 : i32
    %scan3A_40 = arith.constant 0 : i32
    %scan3A_41 = arith.constant 80 : i32
    %scan3A_42 = arith.addi %scan3A_40, %scan3A_41 : i32
    %scan3A_43 = arith.constant 1 : i32
    %scan3A_44 = scf.for %scan3A_51 = %scan3A_40 to %scan3A_42 step %scan3A_43 iter_args(%scan3A_52 = %scan3A_39) -> (i32)  : i32 {
      "tpu.region"() ({
        %run_scoped3A = tpu.sem_alloc : memref<!tpu.dma_semaphore, #tpu.memory_space<semaphore_mem>>
        %dma_start3A = arith.constant 0 : i32
        %dma_start3A_54 = tpu.memref_slice %arg4[%scan3A_51, %dma_start3A] : memref<80x128xi32, #tpu.memory_space<vmem>> -> memref<1x128xi32, #tpu.memory_space<vmem>>
        %dma_start3A_55 = tpu.memref_squeeze %dma_start3A_54 : memref<1x128xi32, #tpu.memory_space<vmem>> -> memref<128xi32, #tpu.memory_space<vmem>>
        %dma_start3A_56 = arith.constant 0 : i32
        %dma_start3A_57 = arith.constant 0 : i32
        %dma_start3A_58 = tpu.memref_slice %arg6[%dma_start3A_56, %dma_start3A_57] : memref<10240x128xf32, #tpu.memory_space<vmem_shared>> -> memref<10240x128xf32, #tpu.memory_space<vmem_shared>>
        tpu.enqueue_indirect_dma source(%arg5 : memref<128x128xf32, #tpu.memory_space<vmem>>) target(%dma_start3A_58 : memref<10240x128xf32, #tpu.memory_space<vmem_shared>>) offsets(%dma_start3A_55 : memref<128xi32, #tpu.memory_space<vmem>>) semaphore(%run_scoped3A : memref<!tpu.dma_semaphore, #tpu.memory_space<semaphore_mem>>) {add = true}
        %dma_wait3A = arith.constant 0 : i32
        %dma_wait3A_59 = tpu.memref_slice %arg4[%scan3A_51, %dma_wait3A] : memref<80x128xi32, #tpu.memory_space<vmem>> -> memref<1x128xi32, #tpu.memory_space<vmem>>
        %dma_wait3A_60 = tpu.memref_squeeze %dma_wait3A_59 : memref<1x128xi32, #tpu.memory_space<vmem>> -> memref<128xi32, #tpu.memory_space<vmem>>
        %dma_wait3A_61 = arith.constant 0 : i32
        %dma_wait3A_62 = arith.constant 0 : i32
        %dma_wait3A_63 = tpu.memref_slice %arg6[%dma_wait3A_61, %dma_wait3A_62] : memref<10240x128xf32, #tpu.memory_space<vmem_shared>> -> memref<10240x128xf32, #tpu.memory_space<vmem_shared>>
        tpu.wait_indirect_dma semaphore(%run_scoped3A : memref<!tpu.dma_semaphore, #tpu.memory_space<semaphore_mem>>) src(%arg5 : memref<128x128xf32, #tpu.memory_space<vmem>>) dst(%dma_wait3A_63 : memref<10240x128xf32, #tpu.memory_space<vmem_shared>>)
        tpu.yield
      }) : () -> ()
      %scan3A_53 = arith.constant 0 : i32
      scf.yield %scan3A_53 : i32
    }
    %scan3A_45 = arith.constant 80 : i32
    %barrier3A_46 = arith.constant 0 : index
    tpu.barrier barrier_id(%barrier3A_46)
    %mul3A_47 = arith.constant 640 : i32
    %mul3A_48 = arith.muli %arg1, %mul3A_47 : i32
    %mul3A_49 = arith.constant 640 : i32
    %mul3A_50 = arith.muli %arg1, %mul3A_49 : i32
    "tpu.region"() ({
      %run_scoped3A = tpu.sem_alloc : memref<!tpu.dma_semaphore, #tpu.memory_space<semaphore_mem>>
      %dma_start3A = arith.constant 0 : i32
      %dma_start3A_51 = tpu.memref_slice %arg3[%arg0, %mul3A_50, %dma_start3A] : memref<2x10240x128xf32, #tpu.memory_space<hbm>> -> memref<1x640x128xf32, #tpu.memory_space<hbm>>
      %dma_start3A_52 = tpu.memref_squeeze %dma_start3A_51 : memref<1x640x128xf32, #tpu.memory_space<hbm>> -> memref<640x128xf32, #tpu.memory_space<hbm>>
      %dma_start3A_53 = arith.constant 0 : i32
      %dma_start3A_54 = tpu.memref_slice %arg6[%mul3A_48, %dma_start3A_53] : memref<10240x128xf32, #tpu.memory_space<vmem_shared>> -> memref<640x128xf32, #tpu.memory_space<vmem_shared>>
      tpu.enqueue_dma source(%dma_start3A_54 : memref<640x128xf32, #tpu.memory_space<vmem_shared>>) target(%dma_start3A_52 : memref<640x128xf32, #tpu.memory_space<hbm>>) target_semaphore(%run_scoped3A : memref<!tpu.dma_semaphore, #tpu.memory_space<semaphore_mem>>)
      %dma_wait3A = arith.constant 0 : i32
      %dma_wait3A_55 = tpu.memref_slice %arg3[%arg0, %mul3A_50, %dma_wait3A] : memref<2x10240x128xf32, #tpu.memory_space<hbm>> -> memref<1x640x128xf32, #tpu.memory_space<hbm>>
      %dma_wait3A_56 = tpu.memref_squeeze %dma_wait3A_55 : memref<1x640x128xf32, #tpu.memory_space<hbm>> -> memref<640x128xf32, #tpu.memory_space<hbm>>
      %dma_wait3A_57 = arith.constant 0 : i32
      %dma_wait3A_58 = tpu.memref_slice %arg6[%mul3A_48, %dma_wait3A_57] : memref<10240x128xf32, #tpu.memory_space<vmem_shared>> -> memref<640x128xf32, #tpu.memory_space<vmem_shared>>
      tpu.wait_dma2 semaphore(%run_scoped3A : memref<!tpu.dma_semaphore, #tpu.memory_space<semaphore_mem>>) src(%dma_wait3A_58 : memref<640x128xf32, #tpu.memory_space<vmem_shared>>) dst(%dma_wait3A_56 : memref<640x128xf32, #tpu.memory_space<hbm>>)
      tpu.yield
    }) : () -> ()
    return
  }
}

#map = affine_map<(d0, d1) -> (0, 0)>
#map1 = affine_map<(d0, d1) -> (0, 0, 0)>
module attributes {stable_mosaic.version = 14 : i64} {
  func.func @_agg_kernel(%arg0: i32, %arg1: i32, %arg2: memref<10240x128xf32, #tpu.memory_space<hbm>>, %arg3: memref<2560x128xi32, #tpu.memory_space<hbm>>, %arg4: memref<2560x128xi32, #tpu.memory_space<hbm>>, %arg5: memref<2x10240x128xf32, #tpu.memory_space<hbm>>, %arg6: memref<40x128xi32, #tpu.memory_space<vmem>>, %arg7: memref<40x128xi32, #tpu.memory_space<vmem>>, %arg8: memref<128x128xf32, #tpu.memory_space<vmem>>, %arg9: memref<128x128xf32, #tpu.memory_space<vmem>>, %arg10: memref<10240x128xf32, #tpu.memory_space<vmem_shared>>, %arg11: memref<!tpu.dma_semaphore, #tpu.memory_space<semaphore_mem>>, %arg12: memref<!tpu.dma_semaphore, #tpu.memory_space<semaphore_mem>>) attributes {dimension_semantics = [#tpu.dimension_semantics<core_parallel>, #tpu.dimension_semantics<subcore_parallel>], iteration_bounds = array<i64: 2, 16>, scalar_prefetch = 0 : i64, scratch_operands = 7 : i64, tpu.core_type = #tpu.core_type<sc_vector_subcore>, window_params = [{transform_indices = #map}, {transform_indices = #map}, {transform_indices = #map}, {transform_indices = #map1}]} {
    %mul3A = arith.constant 2 : i32
    %mul3A_0 = arith.muli %arg1, %mul3A : i32
    %add3A = arith.addi %mul3A_0, %arg0 : i32
    %broadcast_in_dim3A = arith.constant 0.000000e+00 : f32
    %broadcast_in_dim3A_1 = vector.broadcast %broadcast_in_dim3A : f32 to vector<16xf32>
    %scan3A = arith.constant 0 : i32
    %scan3A_2 = arith.constant 0 : i32
    %scan3A_3 = arith.constant 128 : i32
    %scan3A_4 = arith.addi %scan3A_2, %scan3A_3 : i32
    %scan3A_5 = arith.constant 1 : i32
    %scan3A_6 = scf.for %scan3A_40 = %scan3A_2 to %scan3A_4 step %scan3A_5 iter_args(%scan3A_41 = %scan3A) -> (i32)  : i32 {
      %scan3A_42 = arith.constant 0 : i32
      %scan3A_43 = arith.constant 0 : i32
      %scan3A_44 = arith.constant 8 : i32
      %scan3A_45 = arith.addi %scan3A_43, %scan3A_44 : i32
      %scan3A_46 = arith.constant 1 : i32
      %scan3A_47 = scf.for %scan3A_50 = %scan3A_43 to %scan3A_45 step %scan3A_46 iter_args(%scan3A_51 = %scan3A_42) -> (i32)  : i32 {
        %mul3A_52 = arith.constant 16 : i32
        %mul3A_53 = arith.muli %scan3A_50, %mul3A_52 : i32
        %swap3A = arith.index_cast %scan3A_40 : i32 to index
        %swap3A_54 = arith.index_cast %mul3A_53 : i32 to index
        %swap3A_55 = tpu.vector_load %arg8[%swap3A, %swap3A_54] {strides = array<i32>} : memref<128x128xf32, #tpu.memory_space<vmem>>, vector<1x16xf32>,
        %swap3A_56 = vector.shape_cast %swap3A_55 : vector<1x16xf32> to vector<16xf32>
        %swap3A_57 = vector.shape_cast %broadcast_in_dim3A_1 : vector<16xf32> to vector<1x16xf32>
        tpu.vector_store %arg8[%swap3A, %swap3A_54], %swap3A_57 {strides = array<i32>} : memref<128x128xf32, #tpu.memory_space<vmem>>, vector<1x16xf32>,
        %scan3A_58 = arith.constant 0 : i32
        scf.yield %scan3A_58 : i32
      }
      %scan3A_48 = arith.constant 8 : i32
      %scan3A_49 = arith.constant 0 : i32
      scf.yield %scan3A_49 : i32
    }
    %scan3A_7 = arith.constant 128 : i32
    %mul3A_8 = arith.constant 640 : i32
    %mul3A_9 = arith.muli %arg1, %mul3A_8 : i32
    %add3A_10 = arith.constant 0 : i32
    %add3A_11 = arith.addi %mul3A_9, %add3A_10 : i32
    "tpu.region"() ({
      %run_scoped3A = tpu.sem_alloc : memref<!tpu.dma_semaphore, #tpu.memory_space<semaphore_mem>>
      %dma_start3A = arith.constant 0 : i32
      %dma_start3A_40 = tpu.memref_slice %arg10[%add3A_11, %dma_start3A] : memref<10240x128xf32, #tpu.memory_space<vmem_shared>> -> memref<128x128xf32, #tpu.memory_space<vmem_shared>>
      %dma_start3A_41 = arith.constant 0 : i32
      %dma_start3A_42 = tpu.memref_slice %arg10[%add3A_11, %dma_start3A_41] : memref<10240x128xf32, #tpu.memory_space<vmem_shared>> -> memref<128x128xf32, #tpu.memory_space<vmem_shared>>
      tpu.enqueue_dma source(%arg8 : memref<128x128xf32, #tpu.memory_space<vmem>>) target(%dma_start3A_42 : memref<128x128xf32, #tpu.memory_space<vmem_shared>>) target_semaphore(%run_scoped3A : memref<!tpu.dma_semaphore, #tpu.memory_space<semaphore_mem>>)
      %dma_wait3A = arith.constant 0 : i32
      %dma_wait3A_43 = tpu.memref_slice %arg10[%add3A_11, %dma_wait3A] : memref<10240x128xf32, #tpu.memory_space<vmem_shared>> -> memref<128x128xf32, #tpu.memory_space<vmem_shared>>
      %dma_wait3A_44 = arith.constant 0 : i32
      %dma_wait3A_45 = tpu.memref_slice %arg10[%add3A_11, %dma_wait3A_44] : memref<10240x128xf32, #tpu.memory_space<vmem_shared>> -> memref<128x128xf32, #tpu.memory_space<vmem_shared>>
      tpu.wait_dma2 semaphore(%run_scoped3A : memref<!tpu.dma_semaphore, #tpu.memory_space<semaphore_mem>>) src(%arg8 : memref<128x128xf32, #tpu.memory_space<vmem>>) dst(%dma_wait3A_45 : memref<128x128xf32, #tpu.memory_space<vmem_shared>>)
      tpu.yield
    }) : () -> ()
    %mul3A_12 = arith.constant 640 : i32
    %mul3A_13 = arith.muli %arg1, %mul3A_12 : i32
    %add3A_14 = arith.constant 128 : i32
    %add3A_15 = arith.addi %mul3A_13, %add3A_14 : i32
    "tpu.region"() ({
      %run_scoped3A = tpu.sem_alloc : memref<!tpu.dma_semaphore, #tpu.memory_space<semaphore_mem>>
      %dma_start3A = arith.constant 0 : i32
      %dma_start3A_40 = tpu.memref_slice %arg10[%add3A_15, %dma_start3A] : memref<10240x128xf32, #tpu.memory_space<vmem_shared>> -> memref<128x128xf32, #tpu.memory_space<vmem_shared>>
      %dma_start3A_41 = arith.constant 0 : i32
      %dma_start3A_42 = tpu.memref_slice %arg10[%add3A_15, %dma_start3A_41] : memref<10240x128xf32, #tpu.memory_space<vmem_shared>> -> memref<128x128xf32, #tpu.memory_space<vmem_shared>>
      tpu.enqueue_dma source(%arg8 : memref<128x128xf32, #tpu.memory_space<vmem>>) target(%dma_start3A_42 : memref<128x128xf32, #tpu.memory_space<vmem_shared>>) target_semaphore(%run_scoped3A : memref<!tpu.dma_semaphore, #tpu.memory_space<semaphore_mem>>)
      %dma_wait3A = arith.constant 0 : i32
      %dma_wait3A_43 = tpu.memref_slice %arg10[%add3A_15, %dma_wait3A] : memref<10240x128xf32, #tpu.memory_space<vmem_shared>> -> memref<128x128xf32, #tpu.memory_space<vmem_shared>>
      %dma_wait3A_44 = arith.constant 0 : i32
      %dma_wait3A_45 = tpu.memref_slice %arg10[%add3A_15, %dma_wait3A_44] : memref<10240x128xf32, #tpu.memory_space<vmem_shared>> -> memref<128x128xf32, #tpu.memory_space<vmem_shared>>
      tpu.wait_dma2 semaphore(%run_scoped3A : memref<!tpu.dma_semaphore, #tpu.memory_space<semaphore_mem>>) src(%arg8 : memref<128x128xf32, #tpu.memory_space<vmem>>) dst(%dma_wait3A_45 : memref<128x128xf32, #tpu.memory_space<vmem_shared>>)
      tpu.yield
    }) : () -> ()
    %mul3A_16 = arith.constant 640 : i32
    %mul3A_17 = arith.muli %arg1, %mul3A_16 : i32
    %add3A_18 = arith.constant 256 : i32
    %add3A_19 = arith.addi %mul3A_17, %add3A_18 : i32
    "tpu.region"() ({
      %run_scoped3A = tpu.sem_alloc : memref<!tpu.dma_semaphore, #tpu.memory_space<semaphore_mem>>
      %dma_start3A = arith.constant 0 : i32
      %dma_start3A_40 = tpu.memref_slice %arg10[%add3A_19, %dma_start3A] : memref<10240x128xf32, #tpu.memory_space<vmem_shared>> -> memref<128x128xf32, #tpu.memory_space<vmem_shared>>
      %dma_start3A_41 = arith.constant 0 : i32
      %dma_start3A_42 = tpu.memref_slice %arg10[%add3A_19, %dma_start3A_41] : memref<10240x128xf32, #tpu.memory_space<vmem_shared>> -> memref<128x128xf32, #tpu.memory_space<vmem_shared>>
      tpu.enqueue_dma source(%arg8 : memref<128x128xf32, #tpu.memory_space<vmem>>) target(%dma_start3A_42 : memref<128x128xf32, #tpu.memory_space<vmem_shared>>) target_semaphore(%run_scoped3A : memref<!tpu.dma_semaphore, #tpu.memory_space<semaphore_mem>>)
      %dma_wait3A = arith.constant 0 : i32
      %dma_wait3A_43 = tpu.memref_slice %arg10[%add3A_19, %dma_wait3A] : memref<10240x128xf32, #tpu.memory_space<vmem_shared>> -> memref<128x128xf32, #tpu.memory_space<vmem_shared>>
      %dma_wait3A_44 = arith.constant 0 : i32
      %dma_wait3A_45 = tpu.memref_slice %arg10[%add3A_19, %dma_wait3A_44] : memref<10240x128xf32, #tpu.memory_space<vmem_shared>> -> memref<128x128xf32, #tpu.memory_space<vmem_shared>>
      tpu.wait_dma2 semaphore(%run_scoped3A : memref<!tpu.dma_semaphore, #tpu.memory_space<semaphore_mem>>) src(%arg8 : memref<128x128xf32, #tpu.memory_space<vmem>>) dst(%dma_wait3A_45 : memref<128x128xf32, #tpu.memory_space<vmem_shared>>)
      tpu.yield
    }) : () -> ()
    %mul3A_20 = arith.constant 640 : i32
    %mul3A_21 = arith.muli %arg1, %mul3A_20 : i32
    %add3A_22 = arith.constant 384 : i32
    %add3A_23 = arith.addi %mul3A_21, %add3A_22 : i32
    "tpu.region"() ({
      %run_scoped3A = tpu.sem_alloc : memref<!tpu.dma_semaphore, #tpu.memory_space<semaphore_mem>>
      %dma_start3A = arith.constant 0 : i32
      %dma_start3A_40 = tpu.memref_slice %arg10[%add3A_23, %dma_start3A] : memref<10240x128xf32, #tpu.memory_space<vmem_shared>> -> memref<128x128xf32, #tpu.memory_space<vmem_shared>>
      %dma_start3A_41 = arith.constant 0 : i32
      %dma_start3A_42 = tpu.memref_slice %arg10[%add3A_23, %dma_start3A_41] : memref<10240x128xf32, #tpu.memory_space<vmem_shared>> -> memref<128x128xf32, #tpu.memory_space<vmem_shared>>
      tpu.enqueue_dma source(%arg8 : memref<128x128xf32, #tpu.memory_space<vmem>>) target(%dma_start3A_42 : memref<128x128xf32, #tpu.memory_space<vmem_shared>>) target_semaphore(%run_scoped3A : memref<!tpu.dma_semaphore, #tpu.memory_space<semaphore_mem>>)
      %dma_wait3A = arith.constant 0 : i32
      %dma_wait3A_43 = tpu.memref_slice %arg10[%add3A_23, %dma_wait3A] : memref<10240x128xf32, #tpu.memory_space<vmem_shared>> -> memref<128x128xf32, #tpu.memory_space<vmem_shared>>
      %dma_wait3A_44 = arith.constant 0 : i32
      %dma_wait3A_45 = tpu.memref_slice %arg10[%add3A_23, %dma_wait3A_44] : memref<10240x128xf32, #tpu.memory_space<vmem_shared>> -> memref<128x128xf32, #tpu.memory_space<vmem_shared>>
      tpu.wait_dma2 semaphore(%run_scoped3A : memref<!tpu.dma_semaphore, #tpu.memory_space<semaphore_mem>>) src(%arg8 : memref<128x128xf32, #tpu.memory_space<vmem>>) dst(%dma_wait3A_45 : memref<128x128xf32, #tpu.memory_space<vmem_shared>>)
      tpu.yield
    }) : () -> ()
    %mul3A_24 = arith.constant 640 : i32
    %mul3A_25 = arith.muli %arg1, %mul3A_24 : i32
    %add3A_26 = arith.constant 512 : i32
    %add3A_27 = arith.addi %mul3A_25, %add3A_26 : i32
    "tpu.region"() ({
      %run_scoped3A = tpu.sem_alloc : memref<!tpu.dma_semaphore, #tpu.memory_space<semaphore_mem>>
      %dma_start3A = arith.constant 0 : i32
      %dma_start3A_40 = tpu.memref_slice %arg10[%add3A_27, %dma_start3A] : memref<10240x128xf32, #tpu.memory_space<vmem_shared>> -> memref<128x128xf32, #tpu.memory_space<vmem_shared>>
      %dma_start3A_41 = arith.constant 0 : i32
      %dma_start3A_42 = tpu.memref_slice %arg10[%add3A_27, %dma_start3A_41] : memref<10240x128xf32, #tpu.memory_space<vmem_shared>> -> memref<128x128xf32, #tpu.memory_space<vmem_shared>>
      tpu.enqueue_dma source(%arg8 : memref<128x128xf32, #tpu.memory_space<vmem>>) target(%dma_start3A_42 : memref<128x128xf32, #tpu.memory_space<vmem_shared>>) target_semaphore(%run_scoped3A : memref<!tpu.dma_semaphore, #tpu.memory_space<semaphore_mem>>)
      %dma_wait3A = arith.constant 0 : i32
      %dma_wait3A_43 = tpu.memref_slice %arg10[%add3A_27, %dma_wait3A] : memref<10240x128xf32, #tpu.memory_space<vmem_shared>> -> memref<128x128xf32, #tpu.memory_space<vmem_shared>>
      %dma_wait3A_44 = arith.constant 0 : i32
      %dma_wait3A_45 = tpu.memref_slice %arg10[%add3A_27, %dma_wait3A_44] : memref<10240x128xf32, #tpu.memory_space<vmem_shared>> -> memref<128x128xf32, #tpu.memory_space<vmem_shared>>
      tpu.wait_dma2 semaphore(%run_scoped3A : memref<!tpu.dma_semaphore, #tpu.memory_space<semaphore_mem>>) src(%arg8 : memref<128x128xf32, #tpu.memory_space<vmem>>) dst(%dma_wait3A_45 : memref<128x128xf32, #tpu.memory_space<vmem_shared>>)
      tpu.yield
    }) : () -> ()
    %barrier3A = arith.constant 0 : index
    tpu.barrier barrier_id(%barrier3A)
    %scan3A_28 = arith.constant 0 : i32
    %scan3A_29 = arith.constant 0 : i32
    %scan3A_30 = arith.constant 2 : i32
    %scan3A_31 = arith.addi %scan3A_29, %scan3A_30 : i32
    %scan3A_32 = arith.constant 1 : i32
    %scan3A_33 = scf.for %scan3A_40 = %scan3A_29 to %scan3A_31 step %scan3A_32 iter_args(%scan3A_41 = %scan3A_28) -> (i32)  : i32 {
      %mul3A_42 = arith.constant 80 : i32
      %mul3A_43 = arith.muli %add3A, %mul3A_42 : i32
      %mul3A_44 = arith.constant 40 : i32
      %mul3A_45 = arith.muli %scan3A_40, %mul3A_44 : i32
      %add3A_46 = arith.addi %mul3A_43, %mul3A_45 : i32
      "tpu.region"() ({
        %run_scoped3A = tpu.sem_alloc : memref<!tpu.dma_semaphore, #tpu.memory_space<semaphore_mem>>
        %dma_start3A = arith.constant 0 : i32
        %dma_start3A_60 = tpu.memref_slice %arg3[%add3A_46, %dma_start3A] : memref<2560x128xi32, #tpu.memory_space<hbm>> -> memref<40x128xi32, #tpu.memory_space<hbm>>
        %dma_start3A_61 = arith.constant 0 : i32
        %dma_start3A_62 = tpu.memref_slice %arg3[%add3A_46, %dma_start3A_61] : memref<2560x128xi32, #tpu.memory_space<hbm>> -> memref<40x128xi32, #tpu.memory_space<hbm>>
        tpu.enqueue_dma source(%dma_start3A_62 : memref<40x128xi32, #tpu.memory_space<hbm>>) target(%arg6 : memref<40x128xi32, #tpu.memory_space<vmem>>) target_semaphore(%run_scoped3A : memref<!tpu.dma_semaphore, #tpu.memory_space<semaphore_mem>>)
        %dma_wait3A = arith.constant 0 : i32
        %dma_wait3A_63 = tpu.memref_slice %arg3[%add3A_46, %dma_wait3A] : memref<2560x128xi32, #tpu.memory_space<hbm>> -> memref<40x128xi32, #tpu.memory_space<hbm>>
        %dma_wait3A_64 = arith.constant 0 : i32
        %dma_wait3A_65 = tpu.memref_slice %arg3[%add3A_46, %dma_wait3A_64] : memref<2560x128xi32, #tpu.memory_space<hbm>> -> memref<40x128xi32, #tpu.memory_space<hbm>>
        tpu.wait_dma2 semaphore(%run_scoped3A : memref<!tpu.dma_semaphore, #tpu.memory_space<semaphore_mem>>) src(%dma_wait3A_65 : memref<40x128xi32, #tpu.memory_space<hbm>>) dst(%arg6 : memref<40x128xi32, #tpu.memory_space<vmem>>)
        tpu.yield
      }) : () -> ()
      %mul3A_47 = arith.constant 80 : i32
      %mul3A_48 = arith.muli %add3A, %mul3A_47 : i32
      %mul3A_49 = arith.constant 40 : i32
      %mul3A_50 = arith.muli %scan3A_40, %mul3A_49 : i32
      %add3A_51 = arith.addi %mul3A_48, %mul3A_50 : i32
      "tpu.region"() ({
        %run_scoped3A = tpu.sem_alloc : memref<!tpu.dma_semaphore, #tpu.memory_space<semaphore_mem>>
        %dma_start3A = arith.constant 0 : i32
        %dma_start3A_60 = tpu.memref_slice %arg4[%add3A_51, %dma_start3A] : memref<2560x128xi32, #tpu.memory_space<hbm>> -> memref<40x128xi32, #tpu.memory_space<hbm>>
        %dma_start3A_61 = arith.constant 0 : i32
        %dma_start3A_62 = tpu.memref_slice %arg4[%add3A_51, %dma_start3A_61] : memref<2560x128xi32, #tpu.memory_space<hbm>> -> memref<40x128xi32, #tpu.memory_space<hbm>>
        tpu.enqueue_dma source(%dma_start3A_62 : memref<40x128xi32, #tpu.memory_space<hbm>>) target(%arg7 : memref<40x128xi32, #tpu.memory_space<vmem>>) target_semaphore(%run_scoped3A : memref<!tpu.dma_semaphore, #tpu.memory_space<semaphore_mem>>)
        %dma_wait3A = arith.constant 0 : i32
        %dma_wait3A_63 = tpu.memref_slice %arg4[%add3A_51, %dma_wait3A] : memref<2560x128xi32, #tpu.memory_space<hbm>> -> memref<40x128xi32, #tpu.memory_space<hbm>>
        %dma_wait3A_64 = arith.constant 0 : i32
        %dma_wait3A_65 = tpu.memref_slice %arg4[%add3A_51, %dma_wait3A_64] : memref<2560x128xi32, #tpu.memory_space<hbm>> -> memref<40x128xi32, #tpu.memory_space<hbm>>
        tpu.wait_dma2 semaphore(%run_scoped3A : memref<!tpu.dma_semaphore, #tpu.memory_space<semaphore_mem>>) src(%dma_wait3A_65 : memref<40x128xi32, #tpu.memory_space<hbm>>) dst(%arg7 : memref<40x128xi32, #tpu.memory_space<vmem>>)
        tpu.yield
      }) : () -> ()
      %scan3A_52 = arith.constant 0 : i32
      %scan3A_53 = arith.constant 0 : i32
      %scan3A_54 = arith.constant 20 : i32
      %scan3A_55 = arith.addi %scan3A_53, %scan3A_54 : i32
      %scan3A_56 = arith.constant 1 : i32
      %scan3A_57 = scf.for %scan3A_60 = %scan3A_53 to %scan3A_55 step %scan3A_56 iter_args(%scan3A_61 = %scan3A_52) -> (i32)  : i32 {
        %mul3A_62 = arith.constant 2 : i32
        %mul3A_63 = arith.muli %scan3A_60, %mul3A_62 : i32
        %dma_start3A = arith.constant 0 : i32
        %dma_start3A_64 = tpu.memref_slice %arg6[%mul3A_63, %dma_start3A] : memref<40x128xi32, #tpu.memory_space<vmem>> -> memref<1x128xi32, #tpu.memory_space<vmem>>
        %dma_start3A_65 = tpu.memref_squeeze %dma_start3A_64 : memref<1x128xi32, #tpu.memory_space<vmem>> -> memref<128xi32, #tpu.memory_space<vmem>>
        %dma_start3A_66 = arith.constant 0 : i32
        %dma_start3A_67 = arith.constant 0 : i32
        %dma_start3A_68 = tpu.memref_slice %arg2[%dma_start3A_66, %dma_start3A_67] : memref<10240x128xf32, #tpu.memory_space<hbm>> -> memref<10240x128xf32, #tpu.memory_space<hbm>>
        tpu.enqueue_indirect_dma source(%dma_start3A_68 : memref<10240x128xf32, #tpu.memory_space<hbm>>) target(%arg8 : memref<128x128xf32, #tpu.memory_space<vmem>>) offsets(%dma_start3A_65 : memref<128xi32, #tpu.memory_space<vmem>>) semaphore(%arg11 : memref<!tpu.dma_semaphore, #tpu.memory_space<semaphore_mem>>)
        %add3A_69 = arith.constant 1 : i32
        %add3A_70 = arith.addi %mul3A_63, %add3A_69 : i32
        %dma_start3A_71 = arith.constant 0 : i32
        %dma_start3A_72 = tpu.memref_slice %arg6[%add3A_70, %dma_start3A_71] : memref<40x128xi32, #tpu.memory_space<vmem>> -> memref<1x128xi32, #tpu.memory_space<vmem>>
        %dma_start3A_73 = tpu.memref_squeeze %dma_start3A_72 : memref<1x128xi32, #tpu.memory_space<vmem>> -> memref<128xi32, #tpu.memory_space<vmem>>
        %dma_start3A_74 = arith.constant 0 : i32
        %dma_start3A_75 = arith.constant 0 : i32
        %dma_start3A_76 = tpu.memref_slice %arg2[%dma_start3A_74, %dma_start3A_75] : memref<10240x128xf32, #tpu.memory_space<hbm>> -> memref<10240x128xf32, #tpu.memory_space<hbm>>
        tpu.enqueue_indirect_dma source(%dma_start3A_76 : memref<10240x128xf32, #tpu.memory_space<hbm>>) target(%arg9 : memref<128x128xf32, #tpu.memory_space<vmem>>) offsets(%dma_start3A_73 : memref<128xi32, #tpu.memory_space<vmem>>) semaphore(%arg12 : memref<!tpu.dma_semaphore, #tpu.memory_space<semaphore_mem>>)
        %dma_wait3A = arith.constant 0 : i32
        %dma_wait3A_77 = tpu.memref_slice %arg6[%mul3A_63, %dma_wait3A] : memref<40x128xi32, #tpu.memory_space<vmem>> -> memref<1x128xi32, #tpu.memory_space<vmem>>
        %dma_wait3A_78 = tpu.memref_squeeze %dma_wait3A_77 : memref<1x128xi32, #tpu.memory_space<vmem>> -> memref<128xi32, #tpu.memory_space<vmem>>
        %dma_wait3A_79 = arith.constant 0 : i32
        %dma_wait3A_80 = arith.constant 0 : i32
        %dma_wait3A_81 = tpu.memref_slice %arg2[%dma_wait3A_79, %dma_wait3A_80] : memref<10240x128xf32, #tpu.memory_space<hbm>> -> memref<10240x128xf32, #tpu.memory_space<hbm>>
        tpu.wait_indirect_dma semaphore(%arg11 : memref<!tpu.dma_semaphore, #tpu.memory_space<semaphore_mem>>) src(%dma_wait3A_81 : memref<10240x128xf32, #tpu.memory_space<hbm>>) dst(%arg8 : memref<128x128xf32, #tpu.memory_space<vmem>>)
        "tpu.region"() ({
          %run_scoped3A = tpu.sem_alloc : memref<!tpu.dma_semaphore, #tpu.memory_space<semaphore_mem>>
          %dma_start3A_91 = arith.constant 0 : i32
          %dma_start3A_92 = tpu.memref_slice %arg7[%mul3A_63, %dma_start3A_91] : memref<40x128xi32, #tpu.memory_space<vmem>> -> memref<1x128xi32, #tpu.memory_space<vmem>>
          %dma_start3A_93 = tpu.memref_squeeze %dma_start3A_92 : memref<1x128xi32, #tpu.memory_space<vmem>> -> memref<128xi32, #tpu.memory_space<vmem>>
          %dma_start3A_94 = arith.constant 0 : i32
          %dma_start3A_95 = arith.constant 0 : i32
          %dma_start3A_96 = tpu.memref_slice %arg10[%dma_start3A_94, %dma_start3A_95] : memref<10240x128xf32, #tpu.memory_space<vmem_shared>> -> memref<10240x128xf32, #tpu.memory_space<vmem_shared>>
          tpu.enqueue_indirect_dma source(%arg8 : memref<128x128xf32, #tpu.memory_space<vmem>>) target(%dma_start3A_96 : memref<10240x128xf32, #tpu.memory_space<vmem_shared>>) offsets(%dma_start3A_93 : memref<128xi32, #tpu.memory_space<vmem>>) semaphore(%run_scoped3A : memref<!tpu.dma_semaphore, #tpu.memory_space<semaphore_mem>>) {add = true}
          %dma_wait3A_97 = arith.constant 0 : i32
          %dma_wait3A_98 = tpu.memref_slice %arg7[%mul3A_63, %dma_wait3A_97] : memref<40x128xi32, #tpu.memory_space<vmem>> -> memref<1x128xi32, #tpu.memory_space<vmem>>
          %dma_wait3A_99 = tpu.memref_squeeze %dma_wait3A_98 : memref<1x128xi32, #tpu.memory_space<vmem>> -> memref<128xi32, #tpu.memory_space<vmem>>
          %dma_wait3A_100 = arith.constant 0 : i32
          %dma_wait3A_101 = arith.constant 0 : i32
          %dma_wait3A_102 = tpu.memref_slice %arg10[%dma_wait3A_100, %dma_wait3A_101] : memref<10240x128xf32, #tpu.memory_space<vmem_shared>> -> memref<10240x128xf32, #tpu.memory_space<vmem_shared>>
          tpu.wait_indirect_dma semaphore(%run_scoped3A : memref<!tpu.dma_semaphore, #tpu.memory_space<semaphore_mem>>) src(%arg8 : memref<128x128xf32, #tpu.memory_space<vmem>>) dst(%dma_wait3A_102 : memref<10240x128xf32, #tpu.memory_space<vmem_shared>>)
          tpu.yield
        }) : () -> ()
        %dma_wait3A_82 = arith.constant 0 : i32
        %dma_wait3A_83 = tpu.memref_slice %arg6[%add3A_70, %dma_wait3A_82] : memref<40x128xi32, #tpu.memory_space<vmem>> -> memref<1x128xi32, #tpu.memory_space<vmem>>
        %dma_wait3A_84 = tpu.memref_squeeze %dma_wait3A_83 : memref<1x128xi32, #tpu.memory_space<vmem>> -> memref<128xi32, #tpu.memory_space<vmem>>
        %dma_wait3A_85 = arith.constant 0 : i32
        %dma_wait3A_86 = arith.constant 0 : i32
        %dma_wait3A_87 = tpu.memref_slice %arg2[%dma_wait3A_85, %dma_wait3A_86] : memref<10240x128xf32, #tpu.memory_space<hbm>> -> memref<10240x128xf32, #tpu.memory_space<hbm>>
        tpu.wait_indirect_dma semaphore(%arg12 : memref<!tpu.dma_semaphore, #tpu.memory_space<semaphore_mem>>) src(%dma_wait3A_87 : memref<10240x128xf32, #tpu.memory_space<hbm>>) dst(%arg9 : memref<128x128xf32, #tpu.memory_space<vmem>>)
        %add3A_88 = arith.constant 1 : i32
        %add3A_89 = arith.addi %mul3A_63, %add3A_88 : i32
        "tpu.region"() ({
          %run_scoped3A = tpu.sem_alloc : memref<!tpu.dma_semaphore, #tpu.memory_space<semaphore_mem>>
          %dma_start3A_91 = arith.constant 0 : i32
          %dma_start3A_92 = tpu.memref_slice %arg7[%add3A_89, %dma_start3A_91] : memref<40x128xi32, #tpu.memory_space<vmem>> -> memref<1x128xi32, #tpu.memory_space<vmem>>
          %dma_start3A_93 = tpu.memref_squeeze %dma_start3A_92 : memref<1x128xi32, #tpu.memory_space<vmem>> -> memref<128xi32, #tpu.memory_space<vmem>>
          %dma_start3A_94 = arith.constant 0 : i32
          %dma_start3A_95 = arith.constant 0 : i32
          %dma_start3A_96 = tpu.memref_slice %arg10[%dma_start3A_94, %dma_start3A_95] : memref<10240x128xf32, #tpu.memory_space<vmem_shared>> -> memref<10240x128xf32, #tpu.memory_space<vmem_shared>>
          tpu.enqueue_indirect_dma source(%arg9 : memref<128x128xf32, #tpu.memory_space<vmem>>) target(%dma_start3A_96 : memref<10240x128xf32, #tpu.memory_space<vmem_shared>>) offsets(%dma_start3A_93 : memref<128xi32, #tpu.memory_space<vmem>>) semaphore(%run_scoped3A : memref<!tpu.dma_semaphore, #tpu.memory_space<semaphore_mem>>) {add = true}
          %dma_wait3A_97 = arith.constant 0 : i32
          %dma_wait3A_98 = tpu.memref_slice %arg7[%add3A_89, %dma_wait3A_97] : memref<40x128xi32, #tpu.memory_space<vmem>> -> memref<1x128xi32, #tpu.memory_space<vmem>>
          %dma_wait3A_99 = tpu.memref_squeeze %dma_wait3A_98 : memref<1x128xi32, #tpu.memory_space<vmem>> -> memref<128xi32, #tpu.memory_space<vmem>>
          %dma_wait3A_100 = arith.constant 0 : i32
          %dma_wait3A_101 = arith.constant 0 : i32
          %dma_wait3A_102 = tpu.memref_slice %arg10[%dma_wait3A_100, %dma_wait3A_101] : memref<10240x128xf32, #tpu.memory_space<vmem_shared>> -> memref<10240x128xf32, #tpu.memory_space<vmem_shared>>
          tpu.wait_indirect_dma semaphore(%run_scoped3A : memref<!tpu.dma_semaphore, #tpu.memory_space<semaphore_mem>>) src(%arg9 : memref<128x128xf32, #tpu.memory_space<vmem>>) dst(%dma_wait3A_102 : memref<10240x128xf32, #tpu.memory_space<vmem_shared>>)
          tpu.yield
        }) : () -> ()
        %scan3A_90 = arith.constant 0 : i32
        scf.yield %scan3A_90 : i32
      }
      %scan3A_58 = arith.constant 20 : i32
      %scan3A_59 = arith.constant 0 : i32
      scf.yield %scan3A_59 : i32
    }
    %scan3A_34 = arith.constant 2 : i32
    %barrier3A_35 = arith.constant 0 : index
    tpu.barrier barrier_id(%barrier3A_35)
    %mul3A_36 = arith.constant 640 : i32
    %mul3A_37 = arith.muli %arg1, %mul3A_36 : i32
    %mul3A_38 = arith.constant 640 : i32
    %mul3A_39 = arith.muli %arg1, %mul3A_38 : i32
    "tpu.region"() ({
      %run_scoped3A = tpu.sem_alloc : memref<!tpu.dma_semaphore, #tpu.memory_space<semaphore_mem>>
      %dma_start3A = arith.constant 0 : i32
      %dma_start3A_40 = tpu.memref_slice %arg5[%arg0, %mul3A_39, %dma_start3A] : memref<2x10240x128xf32, #tpu.memory_space<hbm>> -> memref<1x640x128xf32, #tpu.memory_space<hbm>>
      %dma_start3A_41 = tpu.memref_squeeze %dma_start3A_40 : memref<1x640x128xf32, #tpu.memory_space<hbm>> -> memref<640x128xf32, #tpu.memory_space<hbm>>
      %dma_start3A_42 = arith.constant 0 : i32
      %dma_start3A_43 = tpu.memref_slice %arg10[%mul3A_37, %dma_start3A_42] : memref<10240x128xf32, #tpu.memory_space<vmem_shared>> -> memref<640x128xf32, #tpu.memory_space<vmem_shared>>
      tpu.enqueue_dma source(%dma_start3A_43 : memref<640x128xf32, #tpu.memory_space<vmem_shared>>) target(%dma_start3A_41 : memref<640x128xf32, #tpu.memory_space<hbm>>) target_semaphore(%run_scoped3A : memref<!tpu.dma_semaphore, #tpu.memory_space<semaphore_mem>>)
      %dma_wait3A = arith.constant 0 : i32
      %dma_wait3A_44 = tpu.memref_slice %arg5[%arg0, %mul3A_39, %dma_wait3A] : memref<2x10240x128xf32, #tpu.memory_space<hbm>> -> memref<1x640x128xf32, #tpu.memory_space<hbm>>
      %dma_wait3A_45 = tpu.memref_squeeze %dma_wait3A_44 : memref<1x640x128xf32, #tpu.memory_space<hbm>> -> memref<640x128xf32, #tpu.memory_space<hbm>>
      %dma_wait3A_46 = arith.constant 0 : i32
      %dma_wait3A_47 = tpu.memref_slice %arg10[%mul3A_37, %dma_wait3A_46] : memref<10240x128xf32, #tpu.memory_space<vmem_shared>> -> memref<640x128xf32, #tpu.memory_space<vmem_shared>>
      tpu.wait_dma2 semaphore(%run_scoped3A : memref<!tpu.dma_semaphore, #tpu.memory_space<semaphore_mem>>) src(%dma_wait3A_47 : memref<640x128xf32, #tpu.memory_space<vmem_shared>>) dst(%dma_wait3A_45 : memref<640x128xf32, #tpu.memory_space<hbm>>)
      tpu.yield
    }) : () -> ()
    return
  }
}

#map = affine_map<(d0, d1) -> (0, 0)>
#map1 = affine_map<(d0, d1) -> (0, 0, 0)>
module attributes {stable_mosaic.version = 14 : i64} {
  func.func @_agg_kernel(%arg0: i32, %arg1: i32, %arg2: memref<10240x128xf32, #tpu.memory_space<hbm>>, %arg3: memref<2560x128xi32, #tpu.memory_space<hbm>>, %arg4: memref<2560x128xi32, #tpu.memory_space<hbm>>, %arg5: memref<2x10240x128xf32, #tpu.memory_space<hbm>>, %arg6: memref<40x128xi32, #tpu.memory_space<vmem>>, %arg7: memref<40x128xi32, #tpu.memory_space<vmem>>, %arg8: memref<128x128xf32, #tpu.memory_space<vmem>>, %arg9: memref<128x128xf32, #tpu.memory_space<vmem>>, %arg10: memref<10240x128xf32, #tpu.memory_space<vmem_shared>>, %arg11: memref<!tpu.dma_semaphore, #tpu.memory_space<semaphore_mem>>, %arg12: memref<!tpu.dma_semaphore, #tpu.memory_space<semaphore_mem>>) attributes {dimension_semantics = [#tpu.dimension_semantics<core_parallel>, #tpu.dimension_semantics<subcore_parallel>], iteration_bounds = array<i64: 2, 16>, scalar_prefetch = 0 : i64, scratch_operands = 7 : i64, tpu.core_type = #tpu.core_type<sc_vector_subcore>, window_params = [{transform_indices = #map}, {transform_indices = #map}, {transform_indices = #map}, {transform_indices = #map1}]} {
    %mul3A = arith.constant 2 : i32
    %mul3A_0 = arith.muli %arg1, %mul3A : i32
    %add3A = arith.addi %mul3A_0, %arg0 : i32
    %broadcast_in_dim3A = arith.constant 0.000000e+00 : f32
    %broadcast_in_dim3A_1 = vector.broadcast %broadcast_in_dim3A : f32 to vector<16xf32>
    %scan3A = arith.constant 0 : i32
    %scan3A_2 = arith.constant 0 : i32
    %scan3A_3 = arith.constant 128 : i32
    %scan3A_4 = arith.addi %scan3A_2, %scan3A_3 : i32
    %scan3A_5 = arith.constant 1 : i32
    %scan3A_6 = scf.for %scan3A_40 = %scan3A_2 to %scan3A_4 step %scan3A_5 iter_args(%scan3A_41 = %scan3A) -> (i32)  : i32 {
      %scan3A_42 = arith.constant 0 : i32
      %scan3A_43 = arith.constant 0 : i32
      %scan3A_44 = arith.constant 8 : i32
      %scan3A_45 = arith.addi %scan3A_43, %scan3A_44 : i32
      %scan3A_46 = arith.constant 1 : i32
      %scan3A_47 = scf.for %scan3A_50 = %scan3A_43 to %scan3A_45 step %scan3A_46 iter_args(%scan3A_51 = %scan3A_42) -> (i32)  : i32 {
        %mul3A_52 = arith.constant 16 : i32
        %mul3A_53 = arith.muli %scan3A_50, %mul3A_52 : i32
        %swap3A = arith.index_cast %scan3A_40 : i32 to index
        %swap3A_54 = arith.index_cast %mul3A_53 : i32 to index
        %swap3A_55 = tpu.vector_load %arg8[%swap3A, %swap3A_54] {strides = array<i32>} : memref<128x128xf32, #tpu.memory_space<vmem>>, vector<1x16xf32>,
        %swap3A_56 = vector.shape_cast %swap3A_55 : vector<1x16xf32> to vector<16xf32>
        %swap3A_57 = vector.shape_cast %broadcast_in_dim3A_1 : vector<16xf32> to vector<1x16xf32>
        tpu.vector_store %arg8[%swap3A, %swap3A_54], %swap3A_57 {strides = array<i32>} : memref<128x128xf32, #tpu.memory_space<vmem>>, vector<1x16xf32>,
        %scan3A_58 = arith.constant 0 : i32
        scf.yield %scan3A_58 : i32
      }
      %scan3A_48 = arith.constant 8 : i32
      %scan3A_49 = arith.constant 0 : i32
      scf.yield %scan3A_49 : i32
    }
    %scan3A_7 = arith.constant 128 : i32
    %mul3A_8 = arith.constant 640 : i32
    %mul3A_9 = arith.muli %arg1, %mul3A_8 : i32
    %add3A_10 = arith.constant 0 : i32
    %add3A_11 = arith.addi %mul3A_9, %add3A_10 : i32
    "tpu.region"() ({
      %run_scoped3A = tpu.sem_alloc : memref<!tpu.dma_semaphore, #tpu.memory_space<semaphore_mem>>
      %dma_start3A = arith.constant 0 : i32
      %dma_start3A_40 = tpu.memref_slice %arg10[%add3A_11, %dma_start3A] : memref<10240x128xf32, #tpu.memory_space<vmem_shared>> -> memref<128x128xf32, #tpu.memory_space<vmem_shared>>
      %dma_start3A_41 = arith.constant 0 : i32
      %dma_start3A_42 = tpu.memref_slice %arg10[%add3A_11, %dma_start3A_41] : memref<10240x128xf32, #tpu.memory_space<vmem_shared>> -> memref<128x128xf32, #tpu.memory_space<vmem_shared>>
      tpu.enqueue_dma source(%arg8 : memref<128x128xf32, #tpu.memory_space<vmem>>) target(%dma_start3A_42 : memref<128x128xf32, #tpu.memory_space<vmem_shared>>) target_semaphore(%run_scoped3A : memref<!tpu.dma_semaphore, #tpu.memory_space<semaphore_mem>>)
      %dma_wait3A = arith.constant 0 : i32
      %dma_wait3A_43 = tpu.memref_slice %arg10[%add3A_11, %dma_wait3A] : memref<10240x128xf32, #tpu.memory_space<vmem_shared>> -> memref<128x128xf32, #tpu.memory_space<vmem_shared>>
      %dma_wait3A_44 = arith.constant 0 : i32
      %dma_wait3A_45 = tpu.memref_slice %arg10[%add3A_11, %dma_wait3A_44] : memref<10240x128xf32, #tpu.memory_space<vmem_shared>> -> memref<128x128xf32, #tpu.memory_space<vmem_shared>>
      tpu.wait_dma2 semaphore(%run_scoped3A : memref<!tpu.dma_semaphore, #tpu.memory_space<semaphore_mem>>) src(%arg8 : memref<128x128xf32, #tpu.memory_space<vmem>>) dst(%dma_wait3A_45 : memref<128x128xf32, #tpu.memory_space<vmem_shared>>)
      tpu.yield
    }) : () -> ()
    %mul3A_12 = arith.constant 640 : i32
    %mul3A_13 = arith.muli %arg1, %mul3A_12 : i32
    %add3A_14 = arith.constant 128 : i32
    %add3A_15 = arith.addi %mul3A_13, %add3A_14 : i32
    "tpu.region"() ({
      %run_scoped3A = tpu.sem_alloc : memref<!tpu.dma_semaphore, #tpu.memory_space<semaphore_mem>>
      %dma_start3A = arith.constant 0 : i32
      %dma_start3A_40 = tpu.memref_slice %arg10[%add3A_15, %dma_start3A] : memref<10240x128xf32, #tpu.memory_space<vmem_shared>> -> memref<128x128xf32, #tpu.memory_space<vmem_shared>>
      %dma_start3A_41 = arith.constant 0 : i32
      %dma_start3A_42 = tpu.memref_slice %arg10[%add3A_15, %dma_start3A_41] : memref<10240x128xf32, #tpu.memory_space<vmem_shared>> -> memref<128x128xf32, #tpu.memory_space<vmem_shared>>
      tpu.enqueue_dma source(%arg8 : memref<128x128xf32, #tpu.memory_space<vmem>>) target(%dma_start3A_42 : memref<128x128xf32, #tpu.memory_space<vmem_shared>>) target_semaphore(%run_scoped3A : memref<!tpu.dma_semaphore, #tpu.memory_space<semaphore_mem>>)
      %dma_wait3A = arith.constant 0 : i32
      %dma_wait3A_43 = tpu.memref_slice %arg10[%add3A_15, %dma_wait3A] : memref<10240x128xf32, #tpu.memory_space<vmem_shared>> -> memref<128x128xf32, #tpu.memory_space<vmem_shared>>
      %dma_wait3A_44 = arith.constant 0 : i32
      %dma_wait3A_45 = tpu.memref_slice %arg10[%add3A_15, %dma_wait3A_44] : memref<10240x128xf32, #tpu.memory_space<vmem_shared>> -> memref<128x128xf32, #tpu.memory_space<vmem_shared>>
      tpu.wait_dma2 semaphore(%run_scoped3A : memref<!tpu.dma_semaphore, #tpu.memory_space<semaphore_mem>>) src(%arg8 : memref<128x128xf32, #tpu.memory_space<vmem>>) dst(%dma_wait3A_45 : memref<128x128xf32, #tpu.memory_space<vmem_shared>>)
      tpu.yield
    }) : () -> ()
    %mul3A_16 = arith.constant 640 : i32
    %mul3A_17 = arith.muli %arg1, %mul3A_16 : i32
    %add3A_18 = arith.constant 256 : i32
    %add3A_19 = arith.addi %mul3A_17, %add3A_18 : i32
    "tpu.region"() ({
      %run_scoped3A = tpu.sem_alloc : memref<!tpu.dma_semaphore, #tpu.memory_space<semaphore_mem>>
      %dma_start3A = arith.constant 0 : i32
      %dma_start3A_40 = tpu.memref_slice %arg10[%add3A_19, %dma_start3A] : memref<10240x128xf32, #tpu.memory_space<vmem_shared>> -> memref<128x128xf32, #tpu.memory_space<vmem_shared>>
      %dma_start3A_41 = arith.constant 0 : i32
      %dma_start3A_42 = tpu.memref_slice %arg10[%add3A_19, %dma_start3A_41] : memref<10240x128xf32, #tpu.memory_space<vmem_shared>> -> memref<128x128xf32, #tpu.memory_space<vmem_shared>>
      tpu.enqueue_dma source(%arg8 : memref<128x128xf32, #tpu.memory_space<vmem>>) target(%dma_start3A_42 : memref<128x128xf32, #tpu.memory_space<vmem_shared>>) target_semaphore(%run_scoped3A : memref<!tpu.dma_semaphore, #tpu.memory_space<semaphore_mem>>)
      %dma_wait3A = arith.constant 0 : i32
      %dma_wait3A_43 = tpu.memref_slice %arg10[%add3A_19, %dma_wait3A] : memref<10240x128xf32, #tpu.memory_space<vmem_shared>> -> memref<128x128xf32, #tpu.memory_space<vmem_shared>>
      %dma_wait3A_44 = arith.constant 0 : i32
      %dma_wait3A_45 = tpu.memref_slice %arg10[%add3A_19, %dma_wait3A_44] : memref<10240x128xf32, #tpu.memory_space<vmem_shared>> -> memref<128x128xf32, #tpu.memory_space<vmem_shared>>
      tpu.wait_dma2 semaphore(%run_scoped3A : memref<!tpu.dma_semaphore, #tpu.memory_space<semaphore_mem>>) src(%arg8 : memref<128x128xf32, #tpu.memory_space<vmem>>) dst(%dma_wait3A_45 : memref<128x128xf32, #tpu.memory_space<vmem_shared>>)
      tpu.yield
    }) : () -> ()
    %mul3A_20 = arith.constant 640 : i32
    %mul3A_21 = arith.muli %arg1, %mul3A_20 : i32
    %add3A_22 = arith.constant 384 : i32
    %add3A_23 = arith.addi %mul3A_21, %add3A_22 : i32
    "tpu.region"() ({
      %run_scoped3A = tpu.sem_alloc : memref<!tpu.dma_semaphore, #tpu.memory_space<semaphore_mem>>
      %dma_start3A = arith.constant 0 : i32
      %dma_start3A_40 = tpu.memref_slice %arg10[%add3A_23, %dma_start3A] : memref<10240x128xf32, #tpu.memory_space<vmem_shared>> -> memref<128x128xf32, #tpu.memory_space<vmem_shared>>
      %dma_start3A_41 = arith.constant 0 : i32
      %dma_start3A_42 = tpu.memref_slice %arg10[%add3A_23, %dma_start3A_41] : memref<10240x128xf32, #tpu.memory_space<vmem_shared>> -> memref<128x128xf32, #tpu.memory_space<vmem_shared>>
      tpu.enqueue_dma source(%arg8 : memref<128x128xf32, #tpu.memory_space<vmem>>) target(%dma_start3A_42 : memref<128x128xf32, #tpu.memory_space<vmem_shared>>) target_semaphore(%run_scoped3A : memref<!tpu.dma_semaphore, #tpu.memory_space<semaphore_mem>>)
      %dma_wait3A = arith.constant 0 : i32
      %dma_wait3A_43 = tpu.memref_slice %arg10[%add3A_23, %dma_wait3A] : memref<10240x128xf32, #tpu.memory_space<vmem_shared>> -> memref<128x128xf32, #tpu.memory_space<vmem_shared>>
      %dma_wait3A_44 = arith.constant 0 : i32
      %dma_wait3A_45 = tpu.memref_slice %arg10[%add3A_23, %dma_wait3A_44] : memref<10240x128xf32, #tpu.memory_space<vmem_shared>> -> memref<128x128xf32, #tpu.memory_space<vmem_shared>>
      tpu.wait_dma2 semaphore(%run_scoped3A : memref<!tpu.dma_semaphore, #tpu.memory_space<semaphore_mem>>) src(%arg8 : memref<128x128xf32, #tpu.memory_space<vmem>>) dst(%dma_wait3A_45 : memref<128x128xf32, #tpu.memory_space<vmem_shared>>)
      tpu.yield
    }) : () -> ()
    %mul3A_24 = arith.constant 640 : i32
    %mul3A_25 = arith.muli %arg1, %mul3A_24 : i32
    %add3A_26 = arith.constant 512 : i32
    %add3A_27 = arith.addi %mul3A_25, %add3A_26 : i32
    "tpu.region"() ({
      %run_scoped3A = tpu.sem_alloc : memref<!tpu.dma_semaphore, #tpu.memory_space<semaphore_mem>>
      %dma_start3A = arith.constant 0 : i32
      %dma_start3A_40 = tpu.memref_slice %arg10[%add3A_27, %dma_start3A] : memref<10240x128xf32, #tpu.memory_space<vmem_shared>> -> memref<128x128xf32, #tpu.memory_space<vmem_shared>>
      %dma_start3A_41 = arith.constant 0 : i32
      %dma_start3A_42 = tpu.memref_slice %arg10[%add3A_27, %dma_start3A_41] : memref<10240x128xf32, #tpu.memory_space<vmem_shared>> -> memref<128x128xf32, #tpu.memory_space<vmem_shared>>
      tpu.enqueue_dma source(%arg8 : memref<128x128xf32, #tpu.memory_space<vmem>>) target(%dma_start3A_42 : memref<128x128xf32, #tpu.memory_space<vmem_shared>>) target_semaphore(%run_scoped3A : memref<!tpu.dma_semaphore, #tpu.memory_space<semaphore_mem>>)
      %dma_wait3A = arith.constant 0 : i32
      %dma_wait3A_43 = tpu.memref_slice %arg10[%add3A_27, %dma_wait3A] : memref<10240x128xf32, #tpu.memory_space<vmem_shared>> -> memref<128x128xf32, #tpu.memory_space<vmem_shared>>
      %dma_wait3A_44 = arith.constant 0 : i32
      %dma_wait3A_45 = tpu.memref_slice %arg10[%add3A_27, %dma_wait3A_44] : memref<10240x128xf32, #tpu.memory_space<vmem_shared>> -> memref<128x128xf32, #tpu.memory_space<vmem_shared>>
      tpu.wait_dma2 semaphore(%run_scoped3A : memref<!tpu.dma_semaphore, #tpu.memory_space<semaphore_mem>>) src(%arg8 : memref<128x128xf32, #tpu.memory_space<vmem>>) dst(%dma_wait3A_45 : memref<128x128xf32, #tpu.memory_space<vmem_shared>>)
      tpu.yield
    }) : () -> ()
    %barrier3A = arith.constant 0 : index
    tpu.barrier barrier_id(%barrier3A)
    %scan3A_28 = arith.constant 0 : i32
    %scan3A_29 = arith.constant 0 : i32
    %scan3A_30 = arith.constant 2 : i32
    %scan3A_31 = arith.addi %scan3A_29, %scan3A_30 : i32
    %scan3A_32 = arith.constant 1 : i32
    %scan3A_33 = scf.for %scan3A_40 = %scan3A_29 to %scan3A_31 step %scan3A_32 iter_args(%scan3A_41 = %scan3A_28) -> (i32)  : i32 {
      %mul3A_42 = arith.constant 80 : i32
      %mul3A_43 = arith.muli %add3A, %mul3A_42 : i32
      %mul3A_44 = arith.constant 40 : i32
      %mul3A_45 = arith.muli %scan3A_40, %mul3A_44 : i32
      %add3A_46 = arith.addi %mul3A_43, %mul3A_45 : i32
      "tpu.region"() ({
        %run_scoped3A = tpu.sem_alloc : memref<!tpu.dma_semaphore, #tpu.memory_space<semaphore_mem>>
        %dma_start3A = arith.constant 0 : i32
        %dma_start3A_60 = tpu.memref_slice %arg3[%add3A_46, %dma_start3A] : memref<2560x128xi32, #tpu.memory_space<hbm>> -> memref<40x128xi32, #tpu.memory_space<hbm>>
        %dma_start3A_61 = arith.constant 0 : i32
        %dma_start3A_62 = tpu.memref_slice %arg3[%add3A_46, %dma_start3A_61] : memref<2560x128xi32, #tpu.memory_space<hbm>> -> memref<40x128xi32, #tpu.memory_space<hbm>>
        tpu.enqueue_dma source(%dma_start3A_62 : memref<40x128xi32, #tpu.memory_space<hbm>>) target(%arg6 : memref<40x128xi32, #tpu.memory_space<vmem>>) target_semaphore(%run_scoped3A : memref<!tpu.dma_semaphore, #tpu.memory_space<semaphore_mem>>)
        %dma_wait3A = arith.constant 0 : i32
        %dma_wait3A_63 = tpu.memref_slice %arg3[%add3A_46, %dma_wait3A] : memref<2560x128xi32, #tpu.memory_space<hbm>> -> memref<40x128xi32, #tpu.memory_space<hbm>>
        %dma_wait3A_64 = arith.constant 0 : i32
        %dma_wait3A_65 = tpu.memref_slice %arg3[%add3A_46, %dma_wait3A_64] : memref<2560x128xi32, #tpu.memory_space<hbm>> -> memref<40x128xi32, #tpu.memory_space<hbm>>
        tpu.wait_dma2 semaphore(%run_scoped3A : memref<!tpu.dma_semaphore, #tpu.memory_space<semaphore_mem>>) src(%dma_wait3A_65 : memref<40x128xi32, #tpu.memory_space<hbm>>) dst(%arg6 : memref<40x128xi32, #tpu.memory_space<vmem>>)
        tpu.yield
      }) : () -> ()
      %mul3A_47 = arith.constant 80 : i32
      %mul3A_48 = arith.muli %add3A, %mul3A_47 : i32
      %mul3A_49 = arith.constant 40 : i32
      %mul3A_50 = arith.muli %scan3A_40, %mul3A_49 : i32
      %add3A_51 = arith.addi %mul3A_48, %mul3A_50 : i32
      "tpu.region"() ({
        %run_scoped3A = tpu.sem_alloc : memref<!tpu.dma_semaphore, #tpu.memory_space<semaphore_mem>>
        %dma_start3A = arith.constant 0 : i32
        %dma_start3A_60 = tpu.memref_slice %arg4[%add3A_51, %dma_start3A] : memref<2560x128xi32, #tpu.memory_space<hbm>> -> memref<40x128xi32, #tpu.memory_space<hbm>>
        %dma_start3A_61 = arith.constant 0 : i32
        %dma_start3A_62 = tpu.memref_slice %arg4[%add3A_51, %dma_start3A_61] : memref<2560x128xi32, #tpu.memory_space<hbm>> -> memref<40x128xi32, #tpu.memory_space<hbm>>
        tpu.enqueue_dma source(%dma_start3A_62 : memref<40x128xi32, #tpu.memory_space<hbm>>) target(%arg7 : memref<40x128xi32, #tpu.memory_space<vmem>>) target_semaphore(%run_scoped3A : memref<!tpu.dma_semaphore, #tpu.memory_space<semaphore_mem>>)
        %dma_wait3A = arith.constant 0 : i32
        %dma_wait3A_63 = tpu.memref_slice %arg4[%add3A_51, %dma_wait3A] : memref<2560x128xi32, #tpu.memory_space<hbm>> -> memref<40x128xi32, #tpu.memory_space<hbm>>
        %dma_wait3A_64 = arith.constant 0 : i32
        %dma_wait3A_65 = tpu.memref_slice %arg4[%add3A_51, %dma_wait3A_64] : memref<2560x128xi32, #tpu.memory_space<hbm>> -> memref<40x128xi32, #tpu.memory_space<hbm>>
        tpu.wait_dma2 semaphore(%run_scoped3A : memref<!tpu.dma_semaphore, #tpu.memory_space<semaphore_mem>>) src(%dma_wait3A_65 : memref<40x128xi32, #tpu.memory_space<hbm>>) dst(%arg7 : memref<40x128xi32, #tpu.memory_space<vmem>>)
        tpu.yield
      }) : () -> ()
      %scan3A_52 = arith.constant 0 : i32
      %scan3A_53 = arith.constant 0 : i32
      %scan3A_54 = arith.constant 20 : i32
      %scan3A_55 = arith.addi %scan3A_53, %scan3A_54 : i32
      %scan3A_56 = arith.constant 1 : i32
      %scan3A_57 = scf.for %scan3A_60 = %scan3A_53 to %scan3A_55 step %scan3A_56 iter_args(%scan3A_61 = %scan3A_52) -> (i32)  : i32 {
        %mul3A_62 = arith.constant 2 : i32
        %mul3A_63 = arith.muli %scan3A_60, %mul3A_62 : i32
        %dma_start3A = arith.constant 0 : i32
        %dma_start3A_64 = tpu.memref_slice %arg6[%mul3A_63, %dma_start3A] : memref<40x128xi32, #tpu.memory_space<vmem>> -> memref<1x128xi32, #tpu.memory_space<vmem>>
        %dma_start3A_65 = tpu.memref_squeeze %dma_start3A_64 : memref<1x128xi32, #tpu.memory_space<vmem>> -> memref<128xi32, #tpu.memory_space<vmem>>
        %dma_start3A_66 = arith.constant 0 : i32
        %dma_start3A_67 = arith.constant 0 : i32
        %dma_start3A_68 = tpu.memref_slice %arg2[%dma_start3A_66, %dma_start3A_67] : memref<10240x128xf32, #tpu.memory_space<hbm>> -> memref<10240x128xf32, #tpu.memory_space<hbm>>
        tpu.enqueue_indirect_dma source(%dma_start3A_68 : memref<10240x128xf32, #tpu.memory_space<hbm>>) target(%arg8 : memref<128x128xf32, #tpu.memory_space<vmem>>) offsets(%dma_start3A_65 : memref<128xi32, #tpu.memory_space<vmem>>) semaphore(%arg11 : memref<!tpu.dma_semaphore, #tpu.memory_space<semaphore_mem>>)
        %add3A_69 = arith.constant 1 : i32
        %add3A_70 = arith.addi %mul3A_63, %add3A_69 : i32
        %dma_start3A_71 = arith.constant 0 : i32
        %dma_start3A_72 = tpu.memref_slice %arg6[%add3A_70, %dma_start3A_71] : memref<40x128xi32, #tpu.memory_space<vmem>> -> memref<1x128xi32, #tpu.memory_space<vmem>>
        %dma_start3A_73 = tpu.memref_squeeze %dma_start3A_72 : memref<1x128xi32, #tpu.memory_space<vmem>> -> memref<128xi32, #tpu.memory_space<vmem>>
        %dma_start3A_74 = arith.constant 0 : i32
        %dma_start3A_75 = arith.constant 0 : i32
        %dma_start3A_76 = tpu.memref_slice %arg2[%dma_start3A_74, %dma_start3A_75] : memref<10240x128xf32, #tpu.memory_space<hbm>> -> memref<10240x128xf32, #tpu.memory_space<hbm>>
        tpu.enqueue_indirect_dma source(%dma_start3A_76 : memref<10240x128xf32, #tpu.memory_space<hbm>>) target(%arg9 : memref<128x128xf32, #tpu.memory_space<vmem>>) offsets(%dma_start3A_73 : memref<128xi32, #tpu.memory_space<vmem>>) semaphore(%arg12 : memref<!tpu.dma_semaphore, #tpu.memory_space<semaphore_mem>>)
        %dma_wait3A = arith.constant 0 : i32
        %dma_wait3A_77 = tpu.memref_slice %arg6[%mul3A_63, %dma_wait3A] : memref<40x128xi32, #tpu.memory_space<vmem>> -> memref<1x128xi32, #tpu.memory_space<vmem>>
        %dma_wait3A_78 = tpu.memref_squeeze %dma_wait3A_77 : memref<1x128xi32, #tpu.memory_space<vmem>> -> memref<128xi32, #tpu.memory_space<vmem>>
        %dma_wait3A_79 = arith.constant 0 : i32
        %dma_wait3A_80 = arith.constant 0 : i32
        %dma_wait3A_81 = tpu.memref_slice %arg2[%dma_wait3A_79, %dma_wait3A_80] : memref<10240x128xf32, #tpu.memory_space<hbm>> -> memref<10240x128xf32, #tpu.memory_space<hbm>>
        tpu.wait_indirect_dma semaphore(%arg11 : memref<!tpu.dma_semaphore, #tpu.memory_space<semaphore_mem>>) src(%dma_wait3A_81 : memref<10240x128xf32, #tpu.memory_space<hbm>>) dst(%arg8 : memref<128x128xf32, #tpu.memory_space<vmem>>)
        "tpu.region"() ({
          %run_scoped3A = tpu.sem_alloc : memref<!tpu.dma_semaphore, #tpu.memory_space<semaphore_mem>>
          %dma_start3A_91 = arith.constant 0 : i32
          %dma_start3A_92 = tpu.memref_slice %arg7[%mul3A_63, %dma_start3A_91] : memref<40x128xi32, #tpu.memory_space<vmem>> -> memref<1x128xi32, #tpu.memory_space<vmem>>
          %dma_start3A_93 = tpu.memref_squeeze %dma_start3A_92 : memref<1x128xi32, #tpu.memory_space<vmem>> -> memref<128xi32, #tpu.memory_space<vmem>>
          %dma_start3A_94 = arith.constant 0 : i32
          %dma_start3A_95 = arith.constant 0 : i32
          %dma_start3A_96 = tpu.memref_slice %arg10[%dma_start3A_94, %dma_start3A_95] : memref<10240x128xf32, #tpu.memory_space<vmem_shared>> -> memref<10240x128xf32, #tpu.memory_space<vmem_shared>>
          tpu.enqueue_indirect_dma source(%arg8 : memref<128x128xf32, #tpu.memory_space<vmem>>) target(%dma_start3A_96 : memref<10240x128xf32, #tpu.memory_space<vmem_shared>>) offsets(%dma_start3A_93 : memref<128xi32, #tpu.memory_space<vmem>>) semaphore(%run_scoped3A : memref<!tpu.dma_semaphore, #tpu.memory_space<semaphore_mem>>) {add = true}
          %dma_wait3A_97 = arith.constant 0 : i32
          %dma_wait3A_98 = tpu.memref_slice %arg7[%mul3A_63, %dma_wait3A_97] : memref<40x128xi32, #tpu.memory_space<vmem>> -> memref<1x128xi32, #tpu.memory_space<vmem>>
          %dma_wait3A_99 = tpu.memref_squeeze %dma_wait3A_98 : memref<1x128xi32, #tpu.memory_space<vmem>> -> memref<128xi32, #tpu.memory_space<vmem>>
          %dma_wait3A_100 = arith.constant 0 : i32
          %dma_wait3A_101 = arith.constant 0 : i32
          %dma_wait3A_102 = tpu.memref_slice %arg10[%dma_wait3A_100, %dma_wait3A_101] : memref<10240x128xf32, #tpu.memory_space<vmem_shared>> -> memref<10240x128xf32, #tpu.memory_space<vmem_shared>>
          tpu.wait_indirect_dma semaphore(%run_scoped3A : memref<!tpu.dma_semaphore, #tpu.memory_space<semaphore_mem>>) src(%arg8 : memref<128x128xf32, #tpu.memory_space<vmem>>) dst(%dma_wait3A_102 : memref<10240x128xf32, #tpu.memory_space<vmem_shared>>)
          tpu.yield
        }) : () -> ()
        %dma_wait3A_82 = arith.constant 0 : i32
        %dma_wait3A_83 = tpu.memref_slice %arg6[%add3A_70, %dma_wait3A_82] : memref<40x128xi32, #tpu.memory_space<vmem>> -> memref<1x128xi32, #tpu.memory_space<vmem>>
        %dma_wait3A_84 = tpu.memref_squeeze %dma_wait3A_83 : memref<1x128xi32, #tpu.memory_space<vmem>> -> memref<128xi32, #tpu.memory_space<vmem>>
        %dma_wait3A_85 = arith.constant 0 : i32
        %dma_wait3A_86 = arith.constant 0 : i32
        %dma_wait3A_87 = tpu.memref_slice %arg2[%dma_wait3A_85, %dma_wait3A_86] : memref<10240x128xf32, #tpu.memory_space<hbm>> -> memref<10240x128xf32, #tpu.memory_space<hbm>>
        tpu.wait_indirect_dma semaphore(%arg12 : memref<!tpu.dma_semaphore, #tpu.memory_space<semaphore_mem>>) src(%dma_wait3A_87 : memref<10240x128xf32, #tpu.memory_space<hbm>>) dst(%arg9 : memref<128x128xf32, #tpu.memory_space<vmem>>)
        %add3A_88 = arith.constant 1 : i32
        %add3A_89 = arith.addi %mul3A_63, %add3A_88 : i32
        "tpu.region"() ({
          %run_scoped3A = tpu.sem_alloc : memref<!tpu.dma_semaphore, #tpu.memory_space<semaphore_mem>>
          %dma_start3A_91 = arith.constant 0 : i32
          %dma_start3A_92 = tpu.memref_slice %arg7[%add3A_89, %dma_start3A_91] : memref<40x128xi32, #tpu.memory_space<vmem>> -> memref<1x128xi32, #tpu.memory_space<vmem>>
          %dma_start3A_93 = tpu.memref_squeeze %dma_start3A_92 : memref<1x128xi32, #tpu.memory_space<vmem>> -> memref<128xi32, #tpu.memory_space<vmem>>
          %dma_start3A_94 = arith.constant 0 : i32
          %dma_start3A_95 = arith.constant 0 : i32
          %dma_start3A_96 = tpu.memref_slice %arg10[%dma_start3A_94, %dma_start3A_95] : memref<10240x128xf32, #tpu.memory_space<vmem_shared>> -> memref<10240x128xf32, #tpu.memory_space<vmem_shared>>
          tpu.enqueue_indirect_dma source(%arg9 : memref<128x128xf32, #tpu.memory_space<vmem>>) target(%dma_start3A_96 : memref<10240x128xf32, #tpu.memory_space<vmem_shared>>) offsets(%dma_start3A_93 : memref<128xi32, #tpu.memory_space<vmem>>) semaphore(%run_scoped3A : memref<!tpu.dma_semaphore, #tpu.memory_space<semaphore_mem>>) {add = true}
          %dma_wait3A_97 = arith.constant 0 : i32
          %dma_wait3A_98 = tpu.memref_slice %arg7[%add3A_89, %dma_wait3A_97] : memref<40x128xi32, #tpu.memory_space<vmem>> -> memref<1x128xi32, #tpu.memory_space<vmem>>
          %dma_wait3A_99 = tpu.memref_squeeze %dma_wait3A_98 : memref<1x128xi32, #tpu.memory_space<vmem>> -> memref<128xi32, #tpu.memory_space<vmem>>
          %dma_wait3A_100 = arith.constant 0 : i32
          %dma_wait3A_101 = arith.constant 0 : i32
          %dma_wait3A_102 = tpu.memref_slice %arg10[%dma_wait3A_100, %dma_wait3A_101] : memref<10240x128xf32, #tpu.memory_space<vmem_shared>> -> memref<10240x128xf32, #tpu.memory_space<vmem_shared>>
          tpu.wait_indirect_dma semaphore(%run_scoped3A : memref<!tpu.dma_semaphore, #tpu.memory_space<semaphore_mem>>) src(%arg9 : memref<128x128xf32, #tpu.memory_space<vmem>>) dst(%dma_wait3A_102 : memref<10240x128xf32, #tpu.memory_space<vmem_shared>>)
          tpu.yield
        }) : () -> ()
        %scan3A_90 = arith.constant 0 : i32
        scf.yield %scan3A_90 : i32
      }
      %scan3A_58 = arith.constant 20 : i32
      %scan3A_59 = arith.constant 0 : i32
      scf.yield %scan3A_59 : i32
    }
    %scan3A_34 = arith.constant 2 : i32
    %barrier3A_35 = arith.constant 0 : index
    tpu.barrier barrier_id(%barrier3A_35)
    %mul3A_36 = arith.constant 640 : i32
    %mul3A_37 = arith.muli %arg1, %mul3A_36 : i32
    %mul3A_38 = arith.constant 640 : i32
    %mul3A_39 = arith.muli %arg1, %mul3A_38 : i32
    "tpu.region"() ({
      %run_scoped3A = tpu.sem_alloc : memref<!tpu.dma_semaphore, #tpu.memory_space<semaphore_mem>>
      %dma_start3A = arith.constant 0 : i32
      %dma_start3A_40 = tpu.memref_slice %arg5[%arg0, %mul3A_39, %dma_start3A] : memref<2x10240x128xf32, #tpu.memory_space<hbm>> -> memref<1x640x128xf32, #tpu.memory_space<hbm>>
      %dma_start3A_41 = tpu.memref_squeeze %dma_start3A_40 : memref<1x640x128xf32, #tpu.memory_space<hbm>> -> memref<640x128xf32, #tpu.memory_space<hbm>>
      %dma_start3A_42 = arith.constant 0 : i32
      %dma_start3A_43 = tpu.memref_slice %arg10[%mul3A_37, %dma_start3A_42] : memref<10240x128xf32, #tpu.memory_space<vmem_shared>> -> memref<640x128xf32, #tpu.memory_space<vmem_shared>>
      tpu.enqueue_dma source(%dma_start3A_43 : memref<640x128xf32, #tpu.memory_space<vmem_shared>>) target(%dma_start3A_41 : memref<640x128xf32, #tpu.memory_space<hbm>>) target_semaphore(%run_scoped3A : memref<!tpu.dma_semaphore, #tpu.memory_space<semaphore_mem>>)
      %dma_wait3A = arith.constant 0 : i32
      %dma_wait3A_44 = tpu.memref_slice %arg5[%arg0, %mul3A_39, %dma_wait3A] : memref<2x10240x128xf32, #tpu.memory_space<hbm>> -> memref<1x640x128xf32, #tpu.memory_space<hbm>>
      %dma_wait3A_45 = tpu.memref_squeeze %dma_wait3A_44 : memref<1x640x128xf32, #tpu.memory_space<hbm>> -> memref<640x128xf32, #tpu.memory_space<hbm>>
      %dma_wait3A_46 = arith.constant 0 : i32
      %dma_wait3A_47 = tpu.memref_slice %arg10[%mul3A_37, %dma_wait3A_46] : memref<10240x128xf32, #tpu.memory_space<vmem_shared>> -> memref<640x128xf32, #tpu.memory_space<vmem_shared>>
      tpu.wait_dma2 semaphore(%run_scoped3A : memref<!tpu.dma_semaphore, #tpu.memory_space<semaphore_mem>>) src(%dma_wait3A_47 : memref<640x128xf32, #tpu.memory_space<vmem_shared>>) dst(%dma_wait3A_45 : memref<640x128xf32, #tpu.memory_space<hbm>>)
      tpu.yield
    }) : () -> ()
    return
  }
}

module attributes {stable_mosaic.version = 14 : i64} {
  func.func @_mm_scale_body(%arg0: i32, %arg1: memref<256x128xf32, #tpu.memory_space<vmem>>, %arg2: memref<128x128xf32, #tpu.memory_space<vmem>>, %arg3: memref<1x256x128xf32, #tpu.memory_space<vmem>>, %arg4: memref<1x256x128xf32, #tpu.memory_space<vmem>>, %arg5: memref<256x128xf32, #tpu.memory_space<vmem>>) attributes {dimension_semantics = [#tpu.dimension_semantics<arbitrary>], iteration_bounds = array<i64: 40>, scalar_prefetch = 0 : i64, scratch_operands = 0 : i64, tpu.core_type = #tpu.core_type<tc>, window_params = [{transform_indices = @transform_0, window_bounds = array<i64: 256, 128>}, {pipeline_mode = #tpu.pipeline_mode<synchronous>, transform_indices = @transform_1, window_bounds = array<i64: 128, 128>}, {transform_indices = @transform_2, window_bounds = array<i64: 1, 256, 128>}, {transform_indices = @transform_3, window_bounds = array<i64: 1, 256, 128>}, {transform_indices = @transform_4, window_bounds = array<i64: 256, 128>}]} {
    %get3A = arith.constant 0 : index
    %get3A_0 = arith.constant 0 : index
    %get3A_1 = arith.constant 0 : index
    %get3A_2 = vector.load %arg3[%get3A, %get3A_0, %get3A_1] : memref<1x256x128xf32, #tpu.memory_space<vmem>>, vector<1x256x128xf32>
    %get3A_3 = vector.shape_cast %get3A_2 : vector<1x256x128xf32> to vector<256x128xf32>
    %get3A_4 = arith.constant 0 : index
    %get3A_5 = arith.constant 0 : index
    %get3A_6 = arith.constant 0 : index
    %get3A_7 = vector.load %arg4[%get3A_4, %get3A_5, %get3A_6] : memref<1x256x128xf32, #tpu.memory_space<vmem>>, vector<1x256x128xf32>
    %get3A_8 = vector.shape_cast %get3A_7 : vector<1x256x128xf32> to vector<256x128xf32>
    %add3A = arith.addf %get3A_3, %get3A_8 : vector<256x128xf32>
    %slice3A = vector.extract_strided_slice %add3A {offsets = [0, 0], sizes = [256, 1], strides = [1, 1]} : vector<256x128xf32> to vector<256x1xf32>
    %add3A_9 = arith.constant 1.000000e+00 : f32
    %add3A_10 = vector.broadcast %add3A_9 : f32 to vector<256x1xf32>
    %add3A_11 = arith.addf %slice3A, %add3A_10 : vector<256x1xf32>
    %rsqrt3A = math.rsqrt %add3A_11 : vector<256x1xf32>
    %get3A_12 = arith.constant 0 : index
    %get3A_13 = arith.constant 0 : index
    %get3A_14 = vector.load %arg1[%get3A_12, %get3A_13] : memref<256x128xf32, #tpu.memory_space<vmem>>, vector<256x128xf32>
    %get3A_15 = arith.constant 0 : index
    %get3A_16 = arith.constant 0 : index
    %get3A_17 = vector.load %arg2[%get3A_15, %get3A_16] : memref<128x128xf32, #tpu.memory_space<vmem>>, vector<128x128xf32>
    %dot_general3A = arith.constant dense<0.000000e+00> : vector<256x128xf32>
    %dot_general3A_18 = tpu.matmul %get3A_14, %get3A_17, %dot_general3A {dimension_numbers = #tpu.dot_dimension_numbers<[1], [0], [0], [1], [0, 0, 1, 1], [], []>, transpose_lhs_hint = false} : vector<256x128xf32>, vector<128x128xf32>, vector<256x128xf32> -> vector<256x128xf32>
    %mul3A = vector.broadcast %rsqrt3A : vector<256x1xf32> to vector<256x128xf32>
    %mul3A_19 = arith.mulf %dot_general3A_18, %mul3A : vector<256x128xf32>
    %swap3A = arith.constant 0 : index
    %swap3A_20 = arith.constant 0 : index
    %swap3A_21 = vector.load %arg5[%swap3A, %swap3A_20] : memref<256x128xf32, #tpu.memory_space<vmem>>, vector<256x128xf32>
    tpu.vector_store %arg5[%swap3A, %swap3A_20], %mul3A_19 {strides = array<i32>} : memref<256x128xf32, #tpu.memory_space<vmem>>, vector<256x128xf32>,
    return
  }
  func.func @transform_0(%arg0: i32) -> (i32, i32) {
    %c0_i32 = arith.constant 0 : i32
    %c0_i32_0 = arith.constant 0 : i32
    return %arg0, %c0_i32 : i32, i32
  }
  func.func @transform_1(%arg0: i32) -> (i32, i32) {
    %c0_i32 = arith.constant 0 : i32
    %c0_i32_0 = arith.constant 0 : i32
    %c0_i32_1 = arith.constant 0 : i32
    return %c0_i32, %c0_i32_0 : i32, i32
  }
  func.func @transform_2(%arg0: i32) -> (i32, i32, i32) {
    %c0_i32 = arith.constant 0 : i32
    %c0_i32_0 = arith.constant 0 : i32
    %c0_i32_1 = arith.constant 0 : i32
    return %c0_i32, %arg0, %c0_i32_0 : i32, i32, i32
  }
  func.func @transform_3(%arg0: i32) -> (i32, i32, i32) {
    %c1_i32 = arith.constant 1 : i32
    %c0_i32 = arith.constant 0 : i32
    %c0_i32_0 = arith.constant 0 : i32
    return %c1_i32, %arg0, %c0_i32 : i32, i32, i32
  }
  func.func @transform_4(%arg0: i32) -> (i32, i32) {
    %c0_i32 = arith.constant 0 : i32
    %c0_i32_0 = arith.constant 0 : i32
    return %arg0, %c0_i32 : i32, i32
  }
}

module attributes {stable_mosaic.version = 14 : i64} {
  func.func @_combine_stats_body(%arg0: i32, %arg1: memref<1x256x128xf32, #tpu.memory_space<vmem>>, %arg2: memref<1x256x128xf32, #tpu.memory_space<vmem>>, %arg3: memref<256x128xf32, #tpu.memory_space<vmem>>, %arg4: memref<1x256x128xf32, #tpu.memory_space<vmem>>, %arg5: memref<1x256x128xf32, #tpu.memory_space<vmem>>, %arg6: memref<1x128xf32, #tpu.memory_space<vmem>>, %arg7: memref<256x128xf32, #tpu.memory_space<vmem>>, %arg8: memref<1x128xf32, #tpu.memory_space<vmem>>, %arg9: memref<1x128xf32, #tpu.memory_space<vmem>>) attributes {dimension_semantics = [#tpu.dimension_semantics<arbitrary>], iteration_bounds = array<i64: 40>, scalar_prefetch = 0 : i64, scratch_operands = 0 : i64, tpu.core_type = #tpu.core_type<tc>, window_params = [{transform_indices = @transform_0, window_bounds = array<i64: 1, 256, 128>}, {transform_indices = @transform_1, window_bounds = array<i64: 1, 256, 128>}, {transform_indices = @transform_2, window_bounds = array<i64: 256, 128>}, {transform_indices = @transform_3, window_bounds = array<i64: 1, 256, 128>}, {transform_indices = @transform_4, window_bounds = array<i64: 1, 256, 128>}, {pipeline_mode = #tpu.pipeline_mode<synchronous>, transform_indices = @transform_5, window_bounds = array<i64: 1, 128>}, {transform_indices = @transform_6, window_bounds = array<i64: 256, 128>}, {pipeline_mode = #tpu.pipeline_mode<synchronous>, transform_indices = @transform_7, window_bounds = array<i64: 1, 128>}, {pipeline_mode = #tpu.pipeline_mode<synchronous>, transform_indices = @transform_8, window_bounds = array<i64: 1, 128>}]} {
    %get3A = arith.constant 0 : index
    %get3A_0 = arith.constant 0 : index
    %get3A_1 = arith.constant 0 : index
    %get3A_2 = vector.load %arg4[%get3A, %get3A_0, %get3A_1] : memref<1x256x128xf32, #tpu.memory_space<vmem>>, vector<1x256x128xf32>
    %get3A_3 = vector.shape_cast %get3A_2 : vector<1x256x128xf32> to vector<256x128xf32>
    %get3A_4 = arith.constant 0 : index
    %get3A_5 = arith.constant 0 : index
    %get3A_6 = arith.constant 0 : index
    %get3A_7 = vector.load %arg5[%get3A_4, %get3A_5, %get3A_6] : memref<1x256x128xf32, #tpu.memory_space<vmem>>, vector<1x256x128xf32>
    %get3A_8 = vector.shape_cast %get3A_7 : vector<1x256x128xf32> to vector<256x128xf32>
    %add3A = arith.addf %get3A_3, %get3A_8 : vector<256x128xf32>
    %slice3A = vector.extract_strided_slice %add3A {offsets = [0, 0], sizes = [256, 1], strides = [1, 1]} : vector<256x128xf32> to vector<256x1xf32>
    %add3A_9 = arith.constant 1.000000e+00 : f32
    %add3A_10 = vector.broadcast %add3A_9 : f32 to vector<256x1xf32>
    %add3A_11 = arith.addf %slice3A, %add3A_10 : vector<256x1xf32>
    %rsqrt3A = math.rsqrt %add3A_11 : vector<256x1xf32>
    %get3A_12 = arith.constant 0 : index
    %get3A_13 = arith.constant 0 : index
    %get3A_14 = arith.constant 0 : index
    %get3A_15 = vector.load %arg1[%get3A_12, %get3A_13, %get3A_14] : memref<1x256x128xf32, #tpu.memory_space<vmem>>, vector<1x256x128xf32>
    %get3A_16 = vector.shape_cast %get3A_15 : vector<1x256x128xf32> to vector<256x128xf32>
    %get3A_17 = arith.constant 0 : index
    %get3A_18 = arith.constant 0 : index
    %get3A_19 = arith.constant 0 : index
    %get3A_20 = vector.load %arg2[%get3A_17, %get3A_18, %get3A_19] : memref<1x256x128xf32, #tpu.memory_space<vmem>>, vector<1x256x128xf32>
    %get3A_21 = vector.shape_cast %get3A_20 : vector<1x256x128xf32> to vector<256x128xf32>
    %add3A_22 = arith.addf %get3A_16, %get3A_21 : vector<256x128xf32>
    %get3A_23 = arith.constant 0 : index
    %get3A_24 = arith.constant 0 : index
    %get3A_25 = vector.load %arg3[%get3A_23, %get3A_24] : memref<256x128xf32, #tpu.memory_space<vmem>>, vector<256x128xf32>
    %add3A_26 = arith.addf %add3A_22, %get3A_25 : vector<256x128xf32>
    %mul3A = vector.broadcast %rsqrt3A : vector<256x1xf32> to vector<256x128xf32>
    %mul3A_27 = arith.mulf %add3A_26, %mul3A : vector<256x128xf32>
    %get3A_28 = arith.constant 0 : index
    %get3A_29 = arith.constant 0 : index
    %get3A_30 = vector.load %arg6[%get3A_28, %get3A_29] : memref<1x128xf32, #tpu.memory_space<vmem>>, vector<1x128xf32>
    %add3A_31 = vector.broadcast %get3A_30 : vector<1x128xf32> to vector<256x128xf32>
    %add3A_32 = arith.addf %mul3A_27, %add3A_31 : vector<256x128xf32>
    %swap3A = arith.constant 0 : index
    %swap3A_33 = arith.constant 0 : index
    %swap3A_34 = vector.load %arg7[%swap3A, %swap3A_33] : memref<256x128xf32, #tpu.memory_space<vmem>>, vector<256x128xf32>
    tpu.vector_store %arg7[%swap3A, %swap3A_33], %add3A_32 {strides = array<i32>} : memref<256x128xf32, #tpu.memory_space<vmem>>, vector<256x128xf32>,
    %mul3A_35 = arith.constant 256 : i32
    %mul3A_36 = arith.muli %arg0, %mul3A_35 : i32
    %iota3A = tpu.iota {dimensions = array<i32: 0>} : vector<256x1xi32>
    %add3A_37 = vector.broadcast %mul3A_36 : i32 to vector<256x1xi32>
    %add3A_38 = arith.addi %add3A_37, %iota3A : vector<256x1xi32>
    %lt3A = arith.constant 10000 : i32
    %lt3A_39 = vector.broadcast %lt3A : i32 to vector<256x1xi32>
    %lt3A_40 = arith.cmpi slt, %add3A_38, %lt3A_39 : vector<256x1xi32>
    %jit3A = arith.constant 0.000000e+00 : f32
    %broadcast_in_dim3A = vector.shape_cast %lt3A_40 : vector<256x1xi1> to vector<256x1xi1>
    %broadcast_in_dim3A_41 = vector.broadcast %broadcast_in_dim3A : vector<256x1xi1> to vector<256x128xi1>
    %broadcast_in_dim3A_42 = vector.broadcast %jit3A : f32 to vector<256x128xf32>
    %select_n3A = arith.select %broadcast_in_dim3A_41, %add3A_32, %broadcast_in_dim3A_42 : vector<256x128xi1>, vector<256x128xf32>
    %eq3A = arith.constant 0 : i32
    %eq3A_43 = arith.cmpi eq, %arg0, %eq3A : i32
    %convert_element_type3A = arith.extui %eq3A_43 : i1 to i32
    %cond3A = arith.constant 0 : i32
    %cond3A_44 = arith.cmpi ne, %convert_element_type3A, %cond3A : i32
    scf.if %cond3A_44 {
      %broadcast_in_dim3A_65 = arith.constant 0.000000e+00 : f32
      %broadcast_in_dim3A_66 = vector.broadcast %broadcast_in_dim3A_65 : f32 to vector<1x128xf32>
      %swap3A_67 = arith.constant 0 : index
      %swap3A_68 = arith.constant 0 : index
      %swap3A_69 = vector.load %arg8[%swap3A_67, %swap3A_68] : memref<1x128xf32, #tpu.memory_space<vmem>>, vector<1x128xf32>
      tpu.vector_store %arg8[%swap3A_67, %swap3A_68], %broadcast_in_dim3A_66 {strides = array<i32>} : memref<1x128xf32, #tpu.memory_space<vmem>>, vector<1x128xf32>,
      %broadcast_in_dim3A_70 = arith.constant 0.000000e+00 : f32
      %broadcast_in_dim3A_71 = vector.broadcast %broadcast_in_dim3A_70 : f32 to vector<1x128xf32>
      %swap3A_72 = arith.constant 0 : index
      %swap3A_73 = arith.constant 0 : index
      %swap3A_74 = vector.load %arg9[%swap3A_72, %swap3A_73] : memref<1x128xf32, #tpu.memory_space<vmem>>, vector<1x128xf32>
      tpu.vector_store %arg9[%swap3A_72, %swap3A_73], %broadcast_in_dim3A_71 {strides = array<i32>} : memref<1x128xf32, #tpu.memory_space<vmem>>, vector<1x128xf32>,
    } else {
    }
    %get3A_45 = arith.constant 0 : index
    %get3A_46 = arith.constant 0 : index
    %get3A_47 = vector.load %arg8[%get3A_45, %get3A_46] : memref<1x128xf32, #tpu.memory_space<vmem>>, vector<1x128xf32>
    %reduce_sum3A = arith.constant dense<0.000000e+00> : vector<128xf32>
    %reduce_sum3A_48 = vector.multi_reduction <add>, %select_n3A, %reduce_sum3A [0] : vector<256x128xf32> to vector<128xf32>
    %broadcast_in_dim3A_49 = vector.shape_cast %reduce_sum3A_48 : vector<128xf32> to vector<1x128xf32>
    %add3A_50 = arith.addf %get3A_47, %broadcast_in_dim3A_49 : vector<1x128xf32>
    %swap3A_51 = arith.constant 0 : index
    %swap3A_52 = arith.constant 0 : index
    %swap3A_53 = vector.load %arg8[%swap3A_51, %swap3A_52] : memref<1x128xf32, #tpu.memory_space<vmem>>, vector<1x128xf32>
    tpu.vector_store %arg8[%swap3A_51, %swap3A_52], %add3A_50 {strides = array<i32>} : memref<1x128xf32, #tpu.memory_space<vmem>>, vector<1x128xf32>,
    %get3A_54 = arith.constant 0 : index
    %get3A_55 = arith.constant 0 : index
    %get3A_56 = vector.load %arg9[%get3A_54, %get3A_55] : memref<1x128xf32, #tpu.memory_space<vmem>>, vector<1x128xf32>
    %mul3A_57 = arith.mulf %select_n3A, %select_n3A : vector<256x128xf32>
    %reduce_sum3A_58 = arith.constant dense<0.000000e+00> : vector<128xf32>
    %reduce_sum3A_59 = vector.multi_reduction <add>, %mul3A_57, %reduce_sum3A_58 [0] : vector<256x128xf32> to vector<128xf32>
    %broadcast_in_dim3A_60 = vector.shape_cast %reduce_sum3A_59 : vector<128xf32> to vector<1x128xf32>
    %add3A_61 = arith.addf %get3A_56, %broadcast_in_dim3A_60 : vector<1x128xf32>
    %swap3A_62 = arith.constant 0 : index
    %swap3A_63 = arith.constant 0 : index
    %swap3A_64 = vector.load %arg9[%swap3A_62, %swap3A_63] : memref<1x128xf32, #tpu.memory_space<vmem>>, vector<1x128xf32>
    tpu.vector_store %arg9[%swap3A_62, %swap3A_63], %add3A_61 {strides = array<i32>} : memref<1x128xf32, #tpu.memory_space<vmem>>, vector<1x128xf32>,
    return
  }
  func.func @transform_0(%arg0: i32) -> (i32, i32, i32) {
    %c0_i32 = arith.constant 0 : i32
    %c0_i32_0 = arith.constant 0 : i32
    %c0_i32_1 = arith.constant 0 : i32
    return %c0_i32, %arg0, %c0_i32_0 : i32, i32, i32
  }
  func.func @transform_1(%arg0: i32) -> (i32, i32, i32) {
    %c1_i32 = arith.constant 1 : i32
    %c0_i32 = arith.constant 0 : i32
    %c0_i32_0 = arith.constant 0 : i32
    return %c1_i32, %arg0, %c0_i32 : i32, i32, i32
  }
  func.func @transform_2(%arg0: i32) -> (i32, i32) {
    %c0_i32 = arith.constant 0 : i32
    %c0_i32_0 = arith.constant 0 : i32
    return %arg0, %c0_i32 : i32, i32
  }
  func.func @transform_3(%arg0: i32) -> (i32, i32, i32) {
    %c0_i32 = arith.constant 0 : i32
    %c0_i32_0 = arith.constant 0 : i32
    %c0_i32_1 = arith.constant 0 : i32
    return %c0_i32, %arg0, %c0_i32_0 : i32, i32, i32
  }
  func.func @transform_4(%arg0: i32) -> (i32, i32, i32) {
    %c1_i32 = arith.constant 1 : i32
    %c0_i32 = arith.constant 0 : i32
    %c0_i32_0 = arith.constant 0 : i32
    return %c1_i32, %arg0, %c0_i32 : i32, i32, i32
  }
  func.func @transform_5(%arg0: i32) -> (i32, i32) {
    %c0_i32 = arith.constant 0 : i32
    %c0_i32_0 = arith.constant 0 : i32
    %c0_i32_1 = arith.constant 0 : i32
    return %c0_i32, %c0_i32_0 : i32, i32
  }
  func.func @transform_6(%arg0: i32) -> (i32, i32) {
    %c0_i32 = arith.constant 0 : i32
    %c0_i32_0 = arith.constant 0 : i32
    return %arg0, %c0_i32 : i32, i32
  }
  func.func @transform_7(%arg0: i32) -> (i32, i32) {
    %c0_i32 = arith.constant 0 : i32
    %c0_i32_0 = arith.constant 0 : i32
    %c0_i32_1 = arith.constant 0 : i32
    return %c0_i32, %c0_i32_0 : i32, i32
  }
  func.func @transform_8(%arg0: i32) -> (i32, i32) {
    %c0_i32 = arith.constant 0 : i32
    %c0_i32_0 = arith.constant 0 : i32
    %c0_i32_1 = arith.constant 0 : i32
    return %c0_i32, %c0_i32_0 : i32, i32
  }
}

module attributes {stable_mosaic.version = 14 : i64} {
  func.func @_bn_relu_mm_body(%arg0: i32, %arg1: memref<256x128xf32, #tpu.memory_space<vmem>>, %arg2: memref<1x128xf32, #tpu.memory_space<vmem>>, %arg3: memref<1x128xf32, #tpu.memory_space<vmem>>, %arg4: memref<1x128xf32, #tpu.memory_space<vmem>>, %arg5: memref<1x128xf32, #tpu.memory_space<vmem>>, %arg6: memref<128x128xf32, #tpu.memory_space<vmem>>, %arg7: memref<1x256x128xf32, #tpu.memory_space<vmem>>, %arg8: memref<1x256x128xf32, #tpu.memory_space<vmem>>, %arg9: memref<256x128xf32, #tpu.memory_space<vmem>>) attributes {dimension_semantics = [#tpu.dimension_semantics<arbitrary>], iteration_bounds = array<i64: 40>, scalar_prefetch = 0 : i64, scratch_operands = 0 : i64, tpu.core_type = #tpu.core_type<tc>, window_params = [{transform_indices = @transform_0, window_bounds = array<i64: 256, 128>}, {pipeline_mode = #tpu.pipeline_mode<synchronous>, transform_indices = @transform_1, window_bounds = array<i64: 1, 128>}, {pipeline_mode = #tpu.pipeline_mode<synchronous>, transform_indices = @transform_2, window_bounds = array<i64: 1, 128>}, {pipeline_mode = #tpu.pipeline_mode<synchronous>, transform_indices = @transform_3, window_bounds = array<i64: 1, 128>}, {pipeline_mode = #tpu.pipeline_mode<synchronous>, transform_indices = @transform_4, window_bounds = array<i64: 1, 128>}, {pipeline_mode = #tpu.pipeline_mode<synchronous>, transform_indices = @transform_5, window_bounds = array<i64: 128, 128>}, {transform_indices = @transform_6, window_bounds = array<i64: 1, 256, 128>}, {transform_indices = @transform_7, window_bounds = array<i64: 1, 256, 128>}, {transform_indices = @transform_8, window_bounds = array<i64: 256, 128>}]} {
    %get3A = arith.constant 0 : index
    %get3A_0 = arith.constant 0 : index
    %get3A_1 = vector.load %arg2[%get3A, %get3A_0] : memref<1x128xf32, #tpu.memory_space<vmem>>, vector<1x128xf32>
    %div3A = arith.constant 1.000000e+04 : f32
    %div3A_2 = vector.broadcast %div3A : f32 to vector<1x128xf32>
    %div3A_3 = arith.divf %get3A_1, %div3A_2 : vector<1x128xf32>
    %get3A_4 = arith.constant 0 : index
    %get3A_5 = arith.constant 0 : index
    %get3A_6 = vector.load %arg3[%get3A_4, %get3A_5] : memref<1x128xf32, #tpu.memory_space<vmem>>, vector<1x128xf32>
    %div3A_7 = arith.constant 1.000000e+04 : f32
    %div3A_8 = vector.broadcast %div3A_7 : f32 to vector<1x128xf32>
    %div3A_9 = arith.divf %get3A_6, %div3A_8 : vector<1x128xf32>
    %mul3A = arith.mulf %div3A_3, %div3A_3 : vector<1x128xf32>
    %sub3A = arith.subf %div3A_9, %mul3A : vector<1x128xf32>
    %add3A = arith.constant 9.99999974E-6 : f32
    %add3A_10 = vector.broadcast %add3A : f32 to vector<1x128xf32>
    %add3A_11 = arith.addf %sub3A, %add3A_10 : vector<1x128xf32>
    %rsqrt3A = math.rsqrt %add3A_11 : vector<1x128xf32>
    %get3A_12 = arith.constant 0 : index
    %get3A_13 = arith.constant 0 : index
    %get3A_14 = vector.load %arg1[%get3A_12, %get3A_13] : memref<256x128xf32, #tpu.memory_space<vmem>>, vector<256x128xf32>
    %sub3A_15 = vector.broadcast %div3A_3 : vector<1x128xf32> to vector<256x128xf32>
    %sub3A_16 = arith.subf %get3A_14, %sub3A_15 : vector<256x128xf32>
    %mul3A_17 = vector.broadcast %rsqrt3A : vector<1x128xf32> to vector<256x128xf32>
    %mul3A_18 = arith.mulf %sub3A_16, %mul3A_17 : vector<256x128xf32>
    %get3A_19 = arith.constant 0 : index
    %get3A_20 = arith.constant 0 : index
    %get3A_21 = vector.load %arg4[%get3A_19, %get3A_20] : memref<1x128xf32, #tpu.memory_space<vmem>>, vector<1x128xf32>
    %mul3A_22 = vector.broadcast %get3A_21 : vector<1x128xf32> to vector<256x128xf32>
    %mul3A_23 = arith.mulf %mul3A_18, %mul3A_22 : vector<256x128xf32>
    %get3A_24 = arith.constant 0 : index
    %get3A_25 = arith.constant 0 : index
    %get3A_26 = vector.load %arg5[%get3A_24, %get3A_25] : memref<1x128xf32, #tpu.memory_space<vmem>>, vector<1x128xf32>
    %add3A_27 = vector.broadcast %get3A_26 : vector<1x128xf32> to vector<256x128xf32>
    %add3A_28 = arith.addf %mul3A_23, %add3A_27 : vector<256x128xf32>
    %max3A = arith.constant 0.000000e+00 : f32
    %max3A_29 = vector.broadcast %max3A : f32 to vector<256x128xf32>
    %max3A_30 = arith.maximumf %add3A_28, %max3A_29 : vector<256x128xf32>
    %mul3A_31 = arith.constant 256 : i32
    %mul3A_32 = arith.muli %arg0, %mul3A_31 : i32
    %iota3A = tpu.iota {dimensions = array<i32: 0>} : vector<256x1xi32>
    %add3A_33 = vector.broadcast %mul3A_32 : i32 to vector<256x1xi32>
    %add3A_34 = arith.addi %add3A_33, %iota3A : vector<256x1xi32>
    %lt3A = arith.constant 10000 : i32
    %lt3A_35 = vector.broadcast %lt3A : i32 to vector<256x1xi32>
    %lt3A_36 = arith.cmpi slt, %add3A_34, %lt3A_35 : vector<256x1xi32>
    %get3A_37 = arith.constant 0 : index
    %get3A_38 = arith.constant 0 : index
    %get3A_39 = arith.constant 0 : index
    %get3A_40 = vector.load %arg7[%get3A_37, %get3A_38, %get3A_39] : memref<1x256x128xf32, #tpu.memory_space<vmem>>, vector<1x256x128xf32>
    %get3A_41 = vector.shape_cast %get3A_40 : vector<1x256x128xf32> to vector<256x128xf32>
    %get3A_42 = arith.constant 0 : index
    %get3A_43 = arith.constant 0 : index
    %get3A_44 = arith.constant 0 : index
    %get3A_45 = vector.load %arg8[%get3A_42, %get3A_43, %get3A_44] : memref<1x256x128xf32, #tpu.memory_space<vmem>>, vector<1x256x128xf32>
    %get3A_46 = vector.shape_cast %get3A_45 : vector<1x256x128xf32> to vector<256x128xf32>
    %add3A_47 = arith.addf %get3A_41, %get3A_46 : vector<256x128xf32>
    %slice3A = vector.extract_strided_slice %add3A_47 {offsets = [0, 0], sizes = [256, 1], strides = [1, 1]} : vector<256x128xf32> to vector<256x1xf32>
    %add3A_48 = arith.constant 1.000000e+00 : f32
    %add3A_49 = vector.broadcast %add3A_48 : f32 to vector<256x1xf32>
    %add3A_50 = arith.addf %slice3A, %add3A_49 : vector<256x1xf32>
    %rsqrt3A_51 = math.rsqrt %add3A_50 : vector<256x1xf32>
    %jit3A = arith.constant 0.000000e+00 : f32
    %broadcast_in_dim3A = vector.broadcast %jit3A : f32 to vector<256x1xf32>
    %select_n3A = arith.select %lt3A_36, %rsqrt3A_51, %broadcast_in_dim3A : vector<256x1xi1>, vector<256x1xf32>
    %mul3A_52 = vector.broadcast %select_n3A : vector<256x1xf32> to vector<256x128xf32>
    %mul3A_53 = arith.mulf %max3A_30, %mul3A_52 : vector<256x128xf32>
    %get3A_54 = arith.constant 0 : index
    %get3A_55 = arith.constant 0 : index
    %get3A_56 = vector.load %arg6[%get3A_54, %get3A_55] : memref<128x128xf32, #tpu.memory_space<vmem>>, vector<128x128xf32>
    %dot_general3A = arith.constant dense<0.000000e+00> : vector<256x128xf32>
    %dot_general3A_57 = tpu.matmul %mul3A_53, %get3A_56, %dot_general3A {dimension_numbers = #tpu.dot_dimension_numbers<[1], [0], [0], [1], [0, 0, 1, 1], [], []>, transpose_lhs_hint = false} : vector<256x128xf32>, vector<128x128xf32>, vector<256x128xf32> -> vector<256x128xf32>
    %swap3A = arith.constant 0 : index
    %swap3A_58 = arith.constant 0 : index
    %swap3A_59 = vector.load %arg9[%swap3A, %swap3A_58] : memref<256x128xf32, #tpu.memory_space<vmem>>, vector<256x128xf32>
    tpu.vector_store %arg9[%swap3A, %swap3A_58], %dot_general3A_57 {strides = array<i32>} : memref<256x128xf32, #tpu.memory_space<vmem>>, vector<256x128xf32>,
    return
  }
  func.func @transform_0(%arg0: i32) -> (i32, i32) {
    %c0_i32 = arith.constant 0 : i32
    %c0_i32_0 = arith.constant 0 : i32
    return %arg0, %c0_i32 : i32, i32
  }
  func.func @transform_1(%arg0: i32) -> (i32, i32) {
    %c0_i32 = arith.constant 0 : i32
    %c0_i32_0 = arith.constant 0 : i32
    %c0_i32_1 = arith.constant 0 : i32
    return %c0_i32, %c0_i32_0 : i32, i32
  }
  func.func @transform_2(%arg0: i32) -> (i32, i32) {
    %c0_i32 = arith.constant 0 : i32
    %c0_i32_0 = arith.constant 0 : i32
    %c0_i32_1 = arith.constant 0 : i32
    return %c0_i32, %c0_i32_0 : i32, i32
  }
  func.func @transform_3(%arg0: i32) -> (i32, i32) {
    %c0_i32 = arith.constant 0 : i32
    %c0_i32_0 = arith.constant 0 : i32
    %c0_i32_1 = arith.constant 0 : i32
    return %c0_i32, %c0_i32_0 : i32, i32
  }
  func.func @transform_4(%arg0: i32) -> (i32, i32) {
    %c0_i32 = arith.constant 0 : i32
    %c0_i32_0 = arith.constant 0 : i32
    %c0_i32_1 = arith.constant 0 : i32
    return %c0_i32, %c0_i32_0 : i32, i32
  }
  func.func @transform_5(%arg0: i32) -> (i32, i32) {
    %c0_i32 = arith.constant 0 : i32
    %c0_i32_0 = arith.constant 0 : i32
    %c0_i32_1 = arith.constant 0 : i32
    return %c0_i32, %c0_i32_0 : i32, i32
  }
  func.func @transform_6(%arg0: i32) -> (i32, i32, i32) {
    %c0_i32 = arith.constant 0 : i32
    %c0_i32_0 = arith.constant 0 : i32
    %c0_i32_1 = arith.constant 0 : i32
    return %c0_i32, %arg0, %c0_i32_0 : i32, i32, i32
  }
  func.func @transform_7(%arg0: i32) -> (i32, i32, i32) {
    %c1_i32 = arith.constant 1 : i32
    %c0_i32 = arith.constant 0 : i32
    %c0_i32_0 = arith.constant 0 : i32
    return %c1_i32, %arg0, %c0_i32 : i32, i32, i32
  }
  func.func @transform_8(%arg0: i32) -> (i32, i32) {
    %c0_i32 = arith.constant 0 : i32
    %c0_i32_0 = arith.constant 0 : i32
    return %arg0, %c0_i32 : i32, i32
  }
}

module attributes {stable_mosaic.version = 14 : i64} {
  func.func @_bn_final_body(%arg0: i32, %arg1: memref<256x128xf32, #tpu.memory_space<vmem>>, %arg2: memref<1x128xf32, #tpu.memory_space<vmem>>, %arg3: memref<1x128xf32, #tpu.memory_space<vmem>>, %arg4: memref<1x128xf32, #tpu.memory_space<vmem>>, %arg5: memref<1x128xf32, #tpu.memory_space<vmem>>, %arg6: memref<256x128xf32, #tpu.memory_space<vmem>>) attributes {dimension_semantics = [#tpu.dimension_semantics<arbitrary>], iteration_bounds = array<i64: 40>, scalar_prefetch = 0 : i64, scratch_operands = 0 : i64, tpu.core_type = #tpu.core_type<tc>, window_params = [{transform_indices = @transform_0, window_bounds = array<i64: 256, 128>}, {pipeline_mode = #tpu.pipeline_mode<synchronous>, transform_indices = @transform_1, window_bounds = array<i64: 1, 128>}, {pipeline_mode = #tpu.pipeline_mode<synchronous>, transform_indices = @transform_2, window_bounds = array<i64: 1, 128>}, {pipeline_mode = #tpu.pipeline_mode<synchronous>, transform_indices = @transform_3, window_bounds = array<i64: 1, 128>}, {pipeline_mode = #tpu.pipeline_mode<synchronous>, transform_indices = @transform_4, window_bounds = array<i64: 1, 128>}, {transform_indices = @transform_5, window_bounds = array<i64: 256, 128>}]} {
    %get3A = arith.constant 0 : index
    %get3A_0 = arith.constant 0 : index
    %get3A_1 = vector.load %arg2[%get3A, %get3A_0] : memref<1x128xf32, #tpu.memory_space<vmem>>, vector<1x128xf32>
    %div3A = arith.constant 1.000000e+04 : f32
    %div3A_2 = vector.broadcast %div3A : f32 to vector<1x128xf32>
    %div3A_3 = arith.divf %get3A_1, %div3A_2 : vector<1x128xf32>
    %get3A_4 = arith.constant 0 : index
    %get3A_5 = arith.constant 0 : index
    %get3A_6 = vector.load %arg3[%get3A_4, %get3A_5] : memref<1x128xf32, #tpu.memory_space<vmem>>, vector<1x128xf32>
    %div3A_7 = arith.constant 1.000000e+04 : f32
    %div3A_8 = vector.broadcast %div3A_7 : f32 to vector<1x128xf32>
    %div3A_9 = arith.divf %get3A_6, %div3A_8 : vector<1x128xf32>
    %mul3A = arith.mulf %div3A_3, %div3A_3 : vector<1x128xf32>
    %sub3A = arith.subf %div3A_9, %mul3A : vector<1x128xf32>
    %add3A = arith.constant 9.99999974E-6 : f32
    %add3A_10 = vector.broadcast %add3A : f32 to vector<1x128xf32>
    %add3A_11 = arith.addf %sub3A, %add3A_10 : vector<1x128xf32>
    %rsqrt3A = math.rsqrt %add3A_11 : vector<1x128xf32>
    %get3A_12 = arith.constant 0 : index
    %get3A_13 = arith.constant 0 : index
    %get3A_14 = vector.load %arg1[%get3A_12, %get3A_13] : memref<256x128xf32, #tpu.memory_space<vmem>>, vector<256x128xf32>
    %sub3A_15 = vector.broadcast %div3A_3 : vector<1x128xf32> to vector<256x128xf32>
    %sub3A_16 = arith.subf %get3A_14, %sub3A_15 : vector<256x128xf32>
    %mul3A_17 = vector.broadcast %rsqrt3A : vector<1x128xf32> to vector<256x128xf32>
    %mul3A_18 = arith.mulf %sub3A_16, %mul3A_17 : vector<256x128xf32>
    %get3A_19 = arith.constant 0 : index
    %get3A_20 = arith.constant 0 : index
    %get3A_21 = vector.load %arg4[%get3A_19, %get3A_20] : memref<1x128xf32, #tpu.memory_space<vmem>>, vector<1x128xf32>
    %mul3A_22 = vector.broadcast %get3A_21 : vector<1x128xf32> to vector<256x128xf32>
    %mul3A_23 = arith.mulf %mul3A_18, %mul3A_22 : vector<256x128xf32>
    %get3A_24 = arith.constant 0 : index
    %get3A_25 = arith.constant 0 : index
    %get3A_26 = vector.load %arg5[%get3A_24, %get3A_25] : memref<1x128xf32, #tpu.memory_space<vmem>>, vector<1x128xf32>
    %add3A_27 = vector.broadcast %get3A_26 : vector<1x128xf32> to vector<256x128xf32>
    %add3A_28 = arith.addf %mul3A_23, %add3A_27 : vector<256x128xf32>
    %swap3A = arith.constant 0 : index
    %swap3A_29 = arith.constant 0 : index
    %swap3A_30 = vector.load %arg6[%swap3A, %swap3A_29] : memref<256x128xf32, #tpu.memory_space<vmem>>, vector<256x128xf32>
    tpu.vector_store %arg6[%swap3A, %swap3A_29], %add3A_28 {strides = array<i32>} : memref<256x128xf32, #tpu.memory_space<vmem>>, vector<256x128xf32>,
    return
  }
  func.func @transform_0(%arg0: i32) -> (i32, i32) {
    %c0_i32 = arith.constant 0 : i32
    %c0_i32_0 = arith.constant 0 : i32
    return %arg0, %c0_i32 : i32, i32
  }
  func.func @transform_1(%arg0: i32) -> (i32, i32) {
    %c0_i32 = arith.constant 0 : i32
    %c0_i32_0 = arith.constant 0 : i32
    %c0_i32_1 = arith.constant 0 : i32
    return %c0_i32, %c0_i32_0 : i32, i32
  }
  func.func @transform_2(%arg0: i32) -> (i32, i32) {
    %c0_i32 = arith.constant 0 : i32
    %c0_i32_0 = arith.constant 0 : i32
    %c0_i32_1 = arith.constant 0 : i32
    return %c0_i32, %c0_i32_0 : i32, i32
  }
  func.func @transform_3(%arg0: i32) -> (i32, i32) {
    %c0_i32 = arith.constant 0 : i32
    %c0_i32_0 = arith.constant 0 : i32
    %c0_i32_1 = arith.constant 0 : i32
    return %c0_i32, %c0_i32_0 : i32, i32
  }
  func.func @transform_4(%arg0: i32) -> (i32, i32) {
    %c0_i32 = arith.constant 0 : i32
    %c0_i32_0 = arith.constant 0 : i32
    %c0_i32_1 = arith.constant 0 : i32
    return %c0_i32, %c0_i32_0 : i32, i32
  }
  func.func @transform_5(%arg0: i32) -> (i32, i32) {
    %c0_i32 = arith.constant 0 : i32
    %c0_i32_0 = arith.constant 0 : i32
    return %arg0, %c0_i32 : i32, i32
  }
}

</mosaic_0001>

<sc_bundles>
// kernel: kernel.10.cloned.1.call-start
scs
__scs_entry_jumppad:
0x0: {  	(pc) =	sbr.rel $0x88, $3  }
0x1: {  	(tag) =	ssettag $0x0;
	lr =	simm.s32 $0x1  }
0x2: {  	[smem:$0x3F97] =	sst lr;
	_ =	strace $0xD0000000  }
0x3: {  	_ = 	snop  }
0x4: {  	_ = 	snop  }
0x5: {  	_ = 	snop  }
0x6: {  	_ = 	snop  }
0x7: {  	_ = 	snop  }
__scs_overlays_trampoline_lowered:
0x8: {  	[smem:$0x3FA6] =	sst s0  }
0x9: {  	[smem:$0x3FA7] =	sst s1  }
0xa: {  	[smem:$0x3FA8] =	sst s2  }
0xb: {  	[smem:$0x3FA9] =	sst s3  }
0xc: {  	[smem:$0x3FAA] =	sst s4  }
0xd: {  	[smem:$0x3FAB] =	sst s5  }
0xe: {  	[smem:$0x3FAC] =	sst s6  }
0xf: {  	[smem:$0x3FAD] =	sst s7  }
0x10: {  	[smem:$0x3FAE] =	sst s8  }
0x11: {  	[smem:$0x3FAF] =	sst s9;
	s0 =	simm.s32 @!p0 $0x0  }
0x12: {  	s1 =	sld [smem:$0x3F95];
	s0 =	simm.s32 @p0 $0x1  }
0x13: {  	[smem:$0x3FB0] =	sst s0;
	s0 =	simm.s32 @!p1 $0x0  }
0x14: {  	s2 =	sld [smem:$0x3F94];
	s0 =	simm.s32 @p1 $0x1  }
0x15: {  	[smem:$0x3FB1] =	sst s0;
	s0 =	simm.s32 @!p2 $0x0  }
0x16: {  	s3 =	sld [smem:$0x3FDB];
	s0 =	simm.s32 @p2 $0x1  }
0x17: {  	s4 =	simm.s32 $0x1BF5;
	[smem:$0x3FB3] =	sst s0  }
0x18: {  	s0 =	sld [smem:$0x3F96];
	_ =	swait.ge [sflag:s4], $0x0  }
0x19: {  	s7 =	sld [smem:$0x3F97]  }
0x1a: {  	s8 =	sadd.s32 $0xFFFFE003, lr  }
0x1b: {  	s9 =	sadd.s32 $0xFFFFFEF7, lr;
	s5 =	simm.s32 $0xFFFFFFFF;
	p2 =	slt.u32 s8, $0xFFFFF086  }
0x1c: {  	p1 =	slt.u32 s9, $0xF7A;
	s5 =	simm.s32 @!p2 $0x0  }
0x1d: {  	s5 =	simm.s32 @p1 $0x1;
	p0 =	seq.s32 s7, s2  }
0x1e: {  	s7 =	smul.u32 @!p0 $0xF7A, s2;
	p2 =	seq.s32 @!p0 s5, $0x0  }
0x1f: {  	s9 =	smul.u32 $0xF7A, s1;
	s8 =	simm.s32 @!p0 $0x1BF5;
	p2 =	por !p2, p0  }
0x20: {  	[sflag:s8] =	ssyncset.s32 @!p0 $0xFFFFF086;
	s6 =	sadd.s32 @!p0 s3, s7;
	s7 =	simm.s32 @!p0 $0x108  }
0x21: {  	s3 =	sadd.s32 s3, s9;
	s6 =	sadd.s32 @!p0 $0x88, s6;
	s7 =	simm.s32 @p2 $0x1082  }
0x22: {  	[simem:s7], [sflag:s8] =	dma.local @!p0 [hbm:s6], $0xF7A  }
0x23: {  	s9 =	sor.u32 $0xD0000000, s2;
	s6 =	simm.s32 $0x108;
	_ =	swait.ge @!p0 [sflag:s8], $0x0  }
0x24: {  	s3 =	sadd.s32 $0x88, s3;
	s6 =	simm.s32 @!p1 $0x1082;
	[sflag:s4] =	ssyncset.s32 $0xFFFFF086  }
0x25: {  	[simem:s6], [sflag:s4] =	dma.local [hbm:s3], $0xF7A  }
0x26: {  	[smem:$0x3F97] =	sst s1;
	(tag) =	ssettag s2;
	_ =	strace s9  }
0x27: {  	s1 =	sld [smem:$0x3FA7]  }
0x28: {  	s2 =	sld [smem:$0x3FA8]  }
0x29: {  	s4 =	sld [smem:$0x3FAA]  }
0x2a: {  	p0 =	seq.s32 s5, $0x0;
	s5 =	sld [smem:$0x3FAB]  }
0x2b: {  	s6 =	sld [smem:$0x3FAC]  }
0x2c: {  	s7 =	sld [smem:$0x3FAD]  }
0x2d: {  	s3 =	simm.s32 $0x108;
	s8 =	sld [smem:$0x3FAE]  }
0x2e: {  	s3 =	simm.s32 @!p0 $0x1082;
	s9 =	sld [smem:$0x3FAF]  }
0x2f: {  	lr =	sadd.s32 s0, s3;
	s0 =	sld [smem:$0x3FA6]  }
0x30: {  	s3 =	sld [smem:$0x3FA9]  }
0x31: {  	[smem:$0x3FB2] =	sst s10  }
0x32: {  	s10 =	sld [smem:$0x3FB0];
	_ =	sdelay $0x3  }
0x33: {  	p0 =	seq.s32 s10, $0x1;
	s10 =	sld [smem:$0x3FB2];
	_ =	sdelay $0x3  }
0x34: {  	[smem:$0x3FB2] =	sst s10  }
0x35: {  	s10 =	sld [smem:$0x3FB1];
	_ =	sdelay $0x3  }
0x36: {  	p1 =	seq.s32 s10, $0x1;
	s10 =	sld [smem:$0x3FB2];
	_ =	sdelay $0x3  }
0x37: {  	[smem:$0x3FB2] =	sst s10  }
0x38: {  	s10 =	sld [smem:$0x3FB3]  }
0x39: {  	_ = 	snop;
	(pc) =	sbr.ind lr, $3  }
0x3a: {  	_ = 	snop  }
0x3b: {  	_ = 	snop  }
0x3c: {  	p2 =	seq.s32 s10, $0x1;
	s10 =	sld [smem:$0x3FB2]  }
0x3d: {  	_ =	shalt  }
0x3e: {  	_ =	shalt  }
0x3f: {  	_ =	shalt  }
0x40: {  	_ =	shalt  }
0x41: {  	_ =	shalt  }
0x42: {  	_ =	shalt  }
0x43: {  	_ =	shalt  }
0x44: {  	_ =	shalt  }
0x45: {  	_ =	shalt  }
0x46: {  	_ =	shalt  }
0x47: {  	_ =	shalt  }
0x48: {  	_ =	shalt  }
0x49: {  	_ =	shalt  }
0x4a: {  	_ =	shalt  }
0x4b: {  	_ =	shalt  }
0x4c: {  	_ =	shalt  }
0x4d: {  	_ =	shalt  }
0x4e: {  	_ =	shalt  }
0x4f: {  	_ =	shalt  }
0x50: {  	_ =	shalt  }
0x51: {  	_ =	shalt  }
0x52: {  	_ =	shalt  }
0x53: {  	_ =	shalt  }
0x54: {  	_ =	shalt  }
0x55: {  	_ =	shalt  }
0x56: {  	_ =	shalt  }
0x57: {  	_ =	shalt  }
0x58: {  	_ =	shalt  }
0x59: {  	_ =	shalt  }
0x5a: {  	_ =	shalt  }
0x5b: {  	_ =	shalt  }
0x5c: {  	_ =	shalt  }
0x5d: {  	_ =	shalt  }
0x5e: {  	_ =	shalt  }
0x5f: {  	_ =	shalt  }
0x60: {  	_ =	shalt  }
0x61: {  	_ =	shalt  }
0x62: {  	_ =	shalt  }
0x63: {  	_ =	shalt  }
0x64: {  	_ =	shalt  }
0x65: {  	_ =	shalt  }
0x66: {  	_ =	shalt  }
0x67: {  	_ =	shalt  }
0x68: {  	_ =	shalt  }
0x69: {  	_ =	shalt  }
0x6a: {  	_ =	shalt  }
0x6b: {  	_ =	shalt  }
0x6c: {  	_ =	shalt  }
0x6d: {  	_ =	shalt  }
0x6e: {  	_ =	shalt  }
0x6f: {  	_ =	shalt  }
0x70: {  	_ =	shalt  }
0x71: {  	_ =	shalt  }
0x72: {  	_ =	shalt  }
0x73: {  	_ =	shalt  }
0x74: {  	_ =	shalt  }
0x75: {  	_ =	shalt  }
0x76: {  	_ =	shalt  }
0x77: {  	_ =	shalt  }
0x78: {  	_ =	shalt  }
0x79: {  	_ =	shalt  }
0x7a: {  	_ =	shalt  }
0x7b: {  	_ =	shalt  }
0x7c: {  	_ =	shalt  }
0x7d: {  	_ =	shalt  }
0x7e: {  	_ =	shalt  }
0x7f: {  	_ =	shalt  }
0x80: {  	_ =	shalt  }
0x81: {  	_ =	shalt  }
0x82: {  	_ =	shalt  }
0x83: {  	_ =	shalt  }
0x84: {  	_ =	shalt  }
0x85: {  	_ =	shalt  }
0x86: {  	_ =	shalt  }
0x87: {  	_ =	shalt  }
.Lfunc_end0:
.L_simem_size_0:
called_computation_lowered:
.L_overlay_start_0:
0x88: {  	s2 =	sld [smem:$0x3FD9]  }
0x89: {  	s3 =	sld [smem:$0x3FFE];
	_ =	sdelay $0x1  }
0x8a: {  	s1 =	srdreg.scid  }
0x8b: {  	s0 =	sand.u32 $0x1, s1  }
0x8c: {  	s16 =	sshll.u32 s0, $0xA;
	s2 =	sadd.s32 s3, s2  }
0x8d: {  	s2 =	sadd.s32 s2, s16  }
0x8e: {  	[smem:$0x3FBE] =	sst s2  }
0x8f: {  	_ = 	snop  }
0x90: {  	(tm) =	ssettm $0x1  }
0x91: {  	s17 =	sld [smem:$0x3FFB];
	_ =	sdelay $0x3  }
0x92: {  	_ =	strace s17  }
0x93: {  	s2 =	sld [smem:$0x3FFC];
	_ =	sdelay $0x3  }
0x94: {  	_ =	strace s2  }
0x95: {  	s2 =	sld [smem:$0x3FFD];
	_ =	sdelay $0x3  }
0x96: {  	_ =	strace s2  }
0x97: {  	_ =	strace $0x8FFFFFFF  }
0x98: {  	s18 =	sld [smem:$0x3FDB];
	_ =	sdelay $0x1  }
0x99: {  	s19 =	simm.s32 $_scs_section_size  }
0x9a: {  	s4 =	simm.s32 $_size__tile_overlayer_lowered;
	s5 =	simm.s32 $_tile_overlayer_lowered  }
0x9b: {  	s22 =	simm.s32 $0x1BFF;
	s21 =	sshll.u32 s5, $0x1;
	s2 =	sadd.s32 s19, s18  }
0x9c: {  	s6 =	simm.s32 $0x0;
	s20 =	sshll.u32 s4, $0x1;
	s4 =	sadd.s32 s21, s2  }
0x9d: {  	[timem:s6], [sflag:s22] =	dma.local [hbm:s4], s20  }
0x9e: {  	_ =	swait.ge [sflag:s22], s20  }
0x9f: {  	s3 =	ssub.s32 $0x0, s20;
	[sflag:s22] =	ssyncset.done $0x0  }
0xa0: {  	[sflag:s22] =	ssyncadd.s32 s3;
	_ =	sdelay $0x1  }
0xa1: {  	s23 =	simm.s32 $0x1B8B  }
0xa2: {  	_ =	swait.ge [sflag:s23], $0x1  }
0xa3: {  	[sflag:s23] =	ssyncset.done $0x0  }
0xa4: {  	s25 =	simm.s32 $0x1B8E;
	s24 =	sld [smem:$0x3FFE];
	[sflag:s23] =	ssyncadd.s32 $0xFFFFFFFF  }
0xa5: {  	s26 =	simm.s32 $execute0_lowered;
	[smem:$0x3FD2] =	sst s25  }
0xa6: {  	s4 =	sshll.u32 s26, $0x1;
	_ =	strace $0x80000046;
	[dreg:$0x1] =	wrdreg $0xFFFFFFFF  }
0xa7: {  	s28 =	simm.s32 $_size_execute0_lowered;
	s2 =	sadd.s32 s2, s4;
	[dreg:$0x0] =	wrdreg $0x0  }
0xa8: {  	s4 =	sshll.u32 s28, $0x1;
	[dreg:$0x2] =	wrdreg s2  }
0xa9: {  	[dreg:$0x3] =	wrdreg s4  }
0xaa: {  	[dreg:$0x4] =	wrdreg $0xC0  }
0xab: {  	_ =	task [dreg:s6], $0x5FFFF  }
0xac: {  	[dreg:$0x1] =	wrdreg $0xFFFFFFFF  }
0xad: {  	[dreg:$0x0] =	wrdreg $0x60  }
0xae: {  	[dreg:$0x2] =	wrdreg s24  }
0xaf: {  	[dreg:$0x3] =	wrdreg $0x68000  }
0xb0: {  	[dreg:$0x4] =	wrdreg $0x9  }
0xb1: {  	_ =	task.clear_ibuf [dreg:s6], $0x5FFFF;
	_ =	strace $0x90000046  }
0xb2: {  	s29 =	simm.s32 $0x9;
	_ =	strace $0x80000048  }
0xb3: {  	_ =	swait.ge [sflag:s29], $0x1  }
0xb4: {  	[sflag:s29] =	ssyncadd.s32 $0xFFFFFFFF  }
0xb5: {  	_ =	strace $0x90000048  }
0xb6: {  	_ =	sfence  }
0xb7: {  	s30 =	sld [smem:$0x0];
	_ =	sdelay $0x2  }
0xb8: {  	s31 =	sshll.u32 s1, $0xD;
	s1 =	sshrl.u32 s1, $0x2  }
0xb9: {  	s3 =	sand.u32 $0x4000, s31;
	s1 =	sadd.s32 s1, s30  }
0xba: {  	s0 =	sor.u32 s3, s0;
	s1 =	sshll.u32 s1, $0x11  }
0xbb: {  	s0 =	sor.u32 s1, s0  }
0xbc: {  	s0 =	sadd.s32 $0x8F2B, s0  }
0xbd: {  	[sflag:s0] =	ssyncadd.remote.s32 $0x1  }
0xbe: {  	_ =	sfence.sel $0xFFFF  }
0xbf: {  	[dreg:$0x0] =	wrdreg $0xFFFFFFFF;
	(pc) =	sbr.abs _section_cstart, $3  }
0xc0: {  	[dreg:$0x1] =	wrdreg $0xFFFFFFFF  }
0xc1: {  	_ =	task.clear_ibuf [dreg:s6], $0x2FFFF;
	_ =	strace $0x9FFFFFFF  }
0xc2: {  	(tm) =	ssettm $0x7FFFFFFF  }
0xc3: {  	_ =	shalt  }
tec
execute0_lowered:
.L_overlay_start_1:
0x0: {  	(tag) =	ssettag $0x1  }
0x1: {  	s1 =	srdreg.scid;
	s5 =	rddreg [dreg:$0x0]  }
0x2: {  	s0 =	stileid.u32;
	s2 =	rddreg [dreg:$0x1]  }
0x3: {  	s3 =	simm.s32 $0x0;
	s13 =	simm.s32 $0x1;
	s14 =	simm.s32 $0x80  }
0x4: {  	s4 =	sand.u32 $0x1, s1;
	s26 =	sshll.u32 s0, $0x1;
	s8 =	smul.u32 $0x14000, s0  }
0x5: {  	[smem:$0x7FF] =	sst s3;
	s9 =	smul.u32 $0x50000, s0;
	s15 =	sshll.u32 s0, $0x6  }
0x6: {  	s1 =	sor.u32 s4, s26;
	s7 =	smul.u32 $0x140000, s4;
	s29 =	ssub.s32 $0x2, s4  }
0x7: {  	s15 =	sor.u32 $0x1C01, s15;
	s6 =	smul.u32 $0x500, s1;
	s1 =	rddreg [dreg:$0x2]  }
0x8: {  	_ =	strace $0x80000047;
	s30 =	sshrl.u32 s9, $0x2;
	s31 =	sshrl.u32 s29, $0x1  }
0x9: {  	s28 =	sadd.s32 s8, s7;
	s4 =	sadd.s32 s30, s2;
	s12 =	ssub.s32 s29, s31  }
0xa: {  	s10 =	sadd.s32 s6, s5;
	s6 =	sshrl.u32 s28, $0x3;
	s7 =	sadd.s32 $0xC000, s4  }
0xb: {  	s8 =	sadd.s32 $0x10000, s4;
	s16 =	sshrl.u32 s4, $0x3;
	s11 =	sadd.s32 s6, s5  }
0xc: {  	s5 =	sadd.s32 $0x4000, s4;
	s6 =	sadd.s32 $0x8000, s4;
	s9 =	sadd.s32 $0x4600, s10  }
0xd: {  	v0 =	vimm.f32 $0.0e+00;
	v1 =	vimm.f32 $1.000000000e+00;
	s10 =	sadd.s32 $0xE600, s11;
	s11 =	smax.u32 s12, $0x1;
	s12 =	simm.s32 $0x2800  }
.LBB2_1:
0xe: {  	s17 =	simm.s32 $0x0;
	s18 =	simm.s32 $0x200  }
.LBB2_2:
0xf: {  	p0 =	sne.s32 s18, $0xFE00;
	[tilespmem:s17+$0x2870] =	vst v0  }
0x10: {  	[tilespmem:s17+$0x2800] =	vst v0  }
0x11: {  	[tilespmem:s17+$0x2810] =	vst v0  }
.Ltmp0:
0x12: {  	[tilespmem:s17+$0x2820] =	vst v0;
	(pc) =	sbr.rel @p0 .LBB2_2-.Ltmp0, $4  }
0x13: {  	[tilespmem:s17+$0x2830] =	vst v0  }
0x14: {  	[tilespmem:s17+$0x2840] =	vst v0  }
0x15: {  	[tilespmem:s17+$0x2850] =	vst v0  }
0x16: {  	[tilespmem:s17+$0x2860] =	vst v0;
	s17 =	sshra.s32 s18, $0x2;
	s18 =	sadd.s32 $0x200, s18  }
0x17: {  	[tilespmem:s17+$0x2870] =	vst v0  }
0x18: {  	[tilespmem:s17+$0x2800] =	vst v0  }
0x19: {  	[tilespmem:s17+$0x2810] =	vst v0  }
0x1a: {  	[tilespmem:s17+$0x2820] =	vst v0  }
0x1b: {  	[tilespmem:s17+$0x2830] =	vst v0  }
0x1c: {  	[tilespmem:s17+$0x2840] =	vst v0  }
0x1d: {  	[tilespmem:s17+$0x2850] =	vst v0  }
0x1e: {  	[tilespmem:s17+$0x2860] =	vst v0  }
0x1f: {  	[spmem:s4] =	stream.linear.scatter [tilespmem:s12], [sflag:$0x1], $0x4000, $0x38;
	[tilespmem:$0x1A800] =	vst v63  }
0x20: {  	_ =	swait.ge [sflag:s13], $0x4000  }
0x21: {  	[sflag:s13] =	ssyncset.done $0x0  }
0x22: {  	[sflag:s13] =	ssyncadd.s32 $0xFFFFC000  }
0x23: {  	[spmem:s5] =	stream.linear.scatter [tilespmem:s12], [sflag:$0x1], $0x4000, $0x38;
	[tilespmem:$0x1A800] =	vst v63  }
0x24: {  	_ =	swait.ge [sflag:s13], $0x4000  }
0x25: {  	[sflag:s13] =	ssyncset.done $0x0  }
0x26: {  	[sflag:s13] =	ssyncadd.s32 $0xFFFFC000  }
0x27: {  	[spmem:s6] =	stream.linear.scatter [tilespmem:s12], [sflag:$0x1], $0x4000, $0x38;
	[tilespmem:$0x1A800] =	vst v63  }
0x28: {  	_ =	swait.ge [sflag:s13], $0x4000  }
0x29: {  	[sflag:s13] =	ssyncset.done $0x0  }
0x2a: {  	[sflag:s13] =	ssyncadd.s32 $0xFFFFC000  }
0x2b: {  	[spmem:s7] =	stream.linear.scatter [tilespmem:s12], [sflag:$0x1], $0x4000, $0x38;
	[tilespmem:$0x1A800] =	vst v63  }
0x2c: {  	_ =	swait.ge [sflag:s13], $0x4000  }
0x2d: {  	[sflag:s13] =	ssyncset.done $0x0  }
0x2e: {  	[sflag:s13] =	ssyncadd.s32 $0xFFFFC000  }
0x2f: {  	[spmem:s8] =	stream.linear.scatter [tilespmem:s12], [sflag:$0x1], $0x4000, $0x38;
	[tilespmem:$0x1A800] =	vst v63  }
0x30: {  	_ =	swait.ge [sflag:s13], $0x4000  }
0x31: {  	[sflag:s13] =	ssyncset.done $0x0  }
0x32: {  	s17 =	simm.s32 $0x0;
	s18 =	simm.s32 $0x200;
	[sflag:s13] =	ssyncadd.s32 $0xFFFFC000  }
.LBB2_4:
0x33: {  	p0 =	sne.s32 s18, $0xFE00;
	[tilespmem:s17+$0x2870] =	vst v1  }
0x34: {  	[tilespmem:s17+$0x2800] =	vst v1  }
0x35: {  	[tilespmem:s17+$0x2810] =	vst v1  }
.Ltmp1:
0x36: {  	[tilespmem:s17+$0x2820] =	vst v1;
	(pc) =	sbr.rel @p0 .LBB2_4-.Ltmp1, $4  }
0x37: {  	[tilespmem:s17+$0x2830] =	vst v1  }
0x38: {  	[tilespmem:s17+$0x2840] =	vst v1  }
0x39: {  	[tilespmem:s17+$0x2850] =	vst v1  }
0x3a: {  	[tilespmem:s17+$0x2860] =	vst v1;
	s17 =	sshra.s32 s18, $0x2;
	s18 =	sadd.s32 $0x200, s18  }
0x3b: {  	[tilespmem:s17+$0x2870] =	vst v1  }
0x3c: {  	[tilespmem:s17+$0x2800] =	vst v1  }
0x3d: {  	[tilespmem:s17+$0x2810] =	vst v1  }
0x3e: {  	[tilespmem:s17+$0x2820] =	vst v1  }
0x3f: {  	[tilespmem:s17+$0x2830] =	vst v1  }
0x40: {  	[tilespmem:s17+$0x2840] =	vst v1  }
0x41: {  	[tilespmem:s17+$0x2850] =	vst v1  }
0x42: {  	[tilespmem:s17+$0x2860] =	vst v1  }
0x43: {  	s30 =	simm.s32 $0x0;
	[bflag:$0x0] =	sbarrier.arrive $0xFFFF  }
0x44: {  	[tilespmem:s30], [sflag:$0x1] =	stream.linear.gather [hbm4b:s9+s30], $0x2800, $0x38;
	[tilespmem:$0x1A800] =	vst v63  }
0x45: {  	_ =	swait.ge [sflag:s13], $0x2800  }
0x46: {  	[sflag:s13] =	ssyncset.done $0x0  }
0x47: {  	s31 =	simm.s32 $0x0;
	[sflag:s13] =	ssyncadd.s32 $0xFFFFD800  }
0x48: {  	[spmem:s2] =	stream.indirect.scatter.add.f32 [tilespmem:s12], [sflag:$0x1], $0x80, s31, s14, $0xb8;
	[tilespmem:$0x1A800] =	vst v63  }
0x49: {  	_ =	swait.ge [sflag:s13], $0x4000  }
0x4a: {  	s17 =	simm.s32 $0x200;
	[sflag:s13] =	ssyncset.done $0x0  }
.LBB2_6:
0x4b: {  	s18 =	sshra.s32 s17, $0x2;
	[sflag:s13] =	ssyncadd.s32 $0xFFFFC000;
	p0 =	sne.s32 s17, $0x9E00  }
0x4c: {  	[spmem:s2] =	stream.indirect.scatter.add.f32 [tilespmem:s12], [sflag:$0x1], $0x80, s18, s14, $0xb8;
	[tilespmem:$0x1A800] =	vst v63  }
.Ltmp2:
0x4d: {  	_ = 	snop;
	(pc) =	sbr.rel @p0 .LBB2_6-.Ltmp2, $4  }
0x4e: {  	_ = 	snop  }
0x4f: {  	s17 =	sadd.s32 $0x200, s17  }
0x50: {  	_ =	swait.ge [sflag:s13], $0x4000  }
0x51: {  	[sflag:s13] =	ssyncset.done $0x0  }
0x52: {  	s3 =	sadd.s32 $0x1, s3  }
0x53: {  	[sflag:s13] =	ssyncadd.s32 $0xFFFFC000;
	p0 =	sne.s32 s3, s11  }
.Ltmp3:
0x54: {  	[bflag:$0x0] =	sbarrier.arrive $0xFFFF;
	(pc) =	sbr.rel @p0 .LBB2_1-.Ltmp3, $4  }
0x55: {  	[hbm:s10], [sflag:s15] =	dma.local [spmem:s16], $0x2800  }
0x56: {  	_ =	swait.ge [sflag:s13], $0x2800  }
0x57: {  	[sflag:s13] =	ssyncset.done $0x0  }
0x58: {  	[sflag:s13] =	ssyncadd.s32 $0xFFFFD800  }
0x59: {  	_ =	sfence.sel $0x180000  }
0x5a: {  	[bflag:$0x0] =	sbarrier.arrive $0xFFFF  }
0x5b: {  	p0 =	sne.s32 s0, $0x0;
	_ =	strace $0x90000047  }
0x5c: {  	s0 =	sadd.s32 @!p0 $0x100000, s1;
	[bflag:$0x2] =	sbarrier.arrive $0xFFFF  }
0x5d: {  	[sflag:s0] =	ssyncadd.tile.s32 @!p0 $0x1;
	_ =	shalt  }
.Lfunc_end2:
_tile_overlayer_lowered:
.L_overlay_start_2:
0x5e: {  	(tag) =	ssettag $0x2  }
0x5f: {  	s0 =	rddreg [dreg:$0x0];
	s2 =	stileid.u32  }
0x60: {  	s1 =	rddreg [dreg:$0x1];
	p0 =	sne.s32 s2, $0x0  }
0x61: {  	s3 =	rddreg [dreg:$0x2];
	[bflag:$0x3] =	sbarrier.arrive $0xFFFF;
	s2 =	simm.s32 @!p0 $0x1C01  }
0x62: {  	[timem:s3], [sflag:s2] =	dma.local @!p0 [hbm:s0], s1  }
0x63: {  	s0 =	simm.s32 @!p0 $0x1  }
0x64: {  	_ =	swait.ge @!p0 [sflag:s0], s1  }
0x65: {  	s1 =	ssub.s32 @!p0 $0x0, s1;
	[sflag:s0] =	ssyncset.done @!p0 $0x0  }
0x66: {  	[sflag:s0] =	ssyncadd.s32 @!p0 s1  }
0x67: {  	[bflag:$0x3] =	sbarrier.arrive $0xFFFF  }
0x68: {  	_ =	shalt  }

// kernel: kernel.13.cloned.1.call-start
scs
__scs_entry_jumppad:
0x0: {  	(pc) =	sbr.rel $0x88, $3  }
0x1: {  	(tag) =	ssettag $0x0;
	lr =	simm.s32 $0x1  }
0x2: {  	[smem:$0x3F97] =	sst lr;
	_ =	strace $0xD0000000  }
0x3: {  	_ = 	snop  }
0x4: {  	_ = 	snop  }
0x5: {  	_ = 	snop  }
0x6: {  	_ = 	snop  }
0x7: {  	_ = 	snop  }
__scs_overlays_trampoline_lowered:
0x8: {  	[smem:$0x3FA6] =	sst s0  }
0x9: {  	[smem:$0x3FA7] =	sst s1  }
0xa: {  	[smem:$0x3FA8] =	sst s2  }
0xb: {  	[smem:$0x3FA9] =	sst s3  }
0xc: {  	[smem:$0x3FAA] =	sst s4  }
0xd: {  	[smem:$0x3FAB] =	sst s5  }
0xe: {  	[smem:$0x3FAC] =	sst s6  }
0xf: {  	[smem:$0x3FAD] =	sst s7  }
0x10: {  	[smem:$0x3FAE] =	sst s8  }
0x11: {  	[smem:$0x3FAF] =	sst s9;
	s0 =	simm.s32 @!p0 $0x0  }
0x12: {  	s1 =	sld [smem:$0x3F95];
	s0 =	simm.s32 @p0 $0x1  }
0x13: {  	[smem:$0x3FB0] =	sst s0;
	s0 =	simm.s32 @!p1 $0x0  }
0x14: {  	s2 =	sld [smem:$0x3F94];
	s0 =	simm.s32 @p1 $0x1  }
0x15: {  	[smem:$0x3FB1] =	sst s0;
	s0 =	simm.s32 @!p2 $0x0  }
0x16: {  	s3 =	sld [smem:$0x3FDB];
	s0 =	simm.s32 @p2 $0x1  }
0x17: {  	s4 =	simm.s32 $0x1BF5;
	[smem:$0x3FB3] =	sst s0  }
0x18: {  	s0 =	sld [smem:$0x3F96];
	_ =	swait.ge [sflag:s4], $0x0  }
0x19: {  	s7 =	sld [smem:$0x3F97]  }
0x1a: {  	s8 =	sadd.s32 $0xFFFFE003, lr  }
0x1b: {  	s9 =	sadd.s32 $0xFFFFFEF7, lr;
	s5 =	simm.s32 $0xFFFFFFFF;
	p2 =	slt.u32 s8, $0xFFFFF086  }
0x1c: {  	p1 =	slt.u32 s9, $0xF7A;
	s5 =	simm.s32 @!p2 $0x0  }
0x1d: {  	s5 =	simm.s32 @p1 $0x1;
	p0 =	seq.s32 s7, s2  }
0x1e: {  	s7 =	smul.u32 @!p0 $0xF7A, s2;
	p2 =	seq.s32 @!p0 s5, $0x0  }
0x1f: {  	s9 =	smul.u32 $0xF7A, s1;
	s8 =	simm.s32 @!p0 $0x1BF5;
	p2 =	por !p2, p0  }
0x20: {  	[sflag:s8] =	ssyncset.s32 @!p0 $0xFFFFF086;
	s6 =	sadd.s32 @!p0 s3, s7;
	s7 =	simm.s32 @!p0 $0x108  }
0x21: {  	s3 =	sadd.s32 s3, s9;
	s6 =	sadd.s32 @!p0 $0x88, s6;
	s7 =	simm.s32 @p2 $0x1082  }
0x22: {  	[simem:s7], [sflag:s8] =	dma.local @!p0 [hbm:s6], $0xF7A  }
0x23: {  	s9 =	sor.u32 $0xD0000000, s2;
	s6 =	simm.s32 $0x108;
	_ =	swait.ge @!p0 [sflag:s8], $0x0  }
0x24: {  	s3 =	sadd.s32 $0x88, s3;
	s6 =	simm.s32 @!p1 $0x1082;
	[sflag:s4] =	ssyncset.s32 $0xFFFFF086  }
0x25: {  	[simem:s6], [sflag:s4] =	dma.local [hbm:s3], $0xF7A  }
0x26: {  	[smem:$0x3F97] =	sst s1;
	(tag) =	ssettag s2;
	_ =	strace s9  }
0x27: {  	s1 =	sld [smem:$0x3FA7]  }
0x28: {  	s2 =	sld [smem:$0x3FA8]  }
0x29: {  	s4 =	sld [smem:$0x3FAA]  }
0x2a: {  	p0 =	seq.s32 s5, $0x0;
	s5 =	sld [smem:$0x3FAB]  }
0x2b: {  	s6 =	sld [smem:$0x3FAC]  }
0x2c: {  	s7 =	sld [smem:$0x3FAD]  }
0x2d: {  	s3 =	simm.s32 $0x108;
	s8 =	sld [smem:$0x3FAE]  }
0x2e: {  	s3 =	simm.s32 @!p0 $0x1082;
	s9 =	sld [smem:$0x3FAF]  }
0x2f: {  	lr =	sadd.s32 s0, s3;
	s0 =	sld [smem:$0x3FA6]  }
0x30: {  	s3 =	sld [smem:$0x3FA9]  }
0x31: {  	[smem:$0x3FB2] =	sst s10  }
0x32: {  	s10 =	sld [smem:$0x3FB0];
	_ =	sdelay $0x3  }
0x33: {  	p0 =	seq.s32 s10, $0x1;
	s10 =	sld [smem:$0x3FB2];
	_ =	sdelay $0x3  }
0x34: {  	[smem:$0x3FB2] =	sst s10  }
0x35: {  	s10 =	sld [smem:$0x3FB1];
	_ =	sdelay $0x3  }
0x36: {  	p1 =	seq.s32 s10, $0x1;
	s10 =	sld [smem:$0x3FB2];
	_ =	sdelay $0x3  }
0x37: {  	[smem:$0x3FB2] =	sst s10  }
0x38: {  	s10 =	sld [smem:$0x3FB3]  }
0x39: {  	_ = 	snop;
	(pc) =	sbr.ind lr, $3  }
0x3a: {  	_ = 	snop  }
0x3b: {  	_ = 	snop  }
0x3c: {  	p2 =	seq.s32 s10, $0x1;
	s10 =	sld [smem:$0x3FB2]  }
0x3d: {  	_ =	shalt  }
0x3e: {  	_ =	shalt  }
0x3f: {  	_ =	shalt  }
0x40: {  	_ =	shalt  }
0x41: {  	_ =	shalt  }
0x42: {  	_ =	shalt  }
0x43: {  	_ =	shalt  }
0x44: {  	_ =	shalt  }
0x45: {  	_ =	shalt  }
0x46: {  	_ =	shalt  }
0x47: {  	_ =	shalt  }
0x48: {  	_ =	shalt  }
0x49: {  	_ =	shalt  }
0x4a: {  	_ =	shalt  }
0x4b: {  	_ =	shalt  }
0x4c: {  	_ =	shalt  }
0x4d: {  	_ =	shalt  }
0x4e: {  	_ =	shalt  }
0x4f: {  	_ =	shalt  }
0x50: {  	_ =	shalt  }
0x51: {  	_ =	shalt  }
0x52: {  	_ =	shalt  }
0x53: {  	_ =	shalt  }
0x54: {  	_ =	shalt  }
0x55: {  	_ =	shalt  }
0x56: {  	_ =	shalt  }
0x57: {  	_ =	shalt  }
0x58: {  	_ =	shalt  }
0x59: {  	_ =	shalt  }
0x5a: {  	_ =	shalt  }
0x5b: {  	_ =	shalt  }
0x5c: {  	_ =	shalt  }
0x5d: {  	_ =	shalt  }
0x5e: {  	_ =	shalt  }
0x5f: {  	_ =	shalt  }
0x60: {  	_ =	shalt  }
0x61: {  	_ =	shalt  }
0x62: {  	_ =	shalt  }
0x63: {  	_ =	shalt  }
0x64: {  	_ =	shalt  }
0x65: {  	_ =	shalt  }
0x66: {  	_ =	shalt  }
0x67: {  	_ =	shalt  }
0x68: {  	_ =	shalt  }
0x69: {  	_ =	shalt  }
0x6a: {  	_ =	shalt  }
0x6b: {  	_ =	shalt  }
0x6c: {  	_ =	shalt  }
0x6d: {  	_ =	shalt  }
0x6e: {  	_ =	shalt  }
0x6f: {  	_ =	shalt  }
0x70: {  	_ =	shalt  }
0x71: {  	_ =	shalt  }
0x72: {  	_ =	shalt  }
0x73: {  	_ =	shalt  }
0x74: {  	_ =	shalt  }
0x75: {  	_ =	shalt  }
0x76: {  	_ =	shalt  }
0x77: {  	_ =	shalt  }
0x78: {  	_ =	shalt  }
0x79: {  	_ =	shalt  }
0x7a: {  	_ =	shalt  }
0x7b: {  	_ =	shalt  }
0x7c: {  	_ =	shalt  }
0x7d: {  	_ =	shalt  }
0x7e: {  	_ =	shalt  }
0x7f: {  	_ =	shalt  }
0x80: {  	_ =	shalt  }
0x81: {  	_ =	shalt  }
0x82: {  	_ =	shalt  }
0x83: {  	_ =	shalt  }
0x84: {  	_ =	shalt  }
0x85: {  	_ =	shalt  }
0x86: {  	_ =	shalt  }
0x87: {  	_ =	shalt  }
.Lfunc_end0:
.L_simem_size_0:
called_computation.1_lowered:
.L_overlay_start_0:
0x88: {  	s2 =	sld [smem:$0x3FD9]  }
0x89: {  	s3 =	sld [smem:$0x3FFE];
	_ =	sdelay $0x1  }
0x8a: {  	s1 =	srdreg.scid  }
0x8b: {  	s0 =	sand.u32 $0x1, s1  }
0x8c: {  	s14 =	sshll.u32 s0, $0xA;
	s2 =	sadd.s32 s3, s2  }
0x8d: {  	s2 =	sadd.s32 s2, s14  }
0x8e: {  	[smem:$0x3FBE] =	sst s2  }
0x8f: {  	_ = 	snop  }
0x90: {  	s2 =	sld [smem:$0x3FD0];
	_ =	sdelay $0x2  }
0x91: {  	s15 =	simm.s32 $0xA;
	s4 =	simm.s32 $0x10  }
0x92: {  	[smem:s4], [sflag:s15] =	dma.local [hbm:s2], $0x1  }
0x93: {  	_ =	swait.eq [sflag:s15], $0x1  }
0x94: {  	[sflag:s15] =	ssyncset.done $0x0  }
0x95: {  	[sflag:s15] =	ssyncadd.s32 $0xFFFFFFFF  }
0x96: {  	s16 =	sld [smem:$0x11];
	(tm) =	ssettm $0x1  }
0x97: {  	s17 =	sld [smem:$0x3FFB];
	_ =	sdelay $0x3  }
0x98: {  	_ =	strace s17  }
0x99: {  	s3 =	sld [smem:$0x3FFC];
	_ =	sdelay $0x3  }
0x9a: {  	_ =	strace s3  }
0x9b: {  	s3 =	sld [smem:$0x3FFD];
	_ =	sdelay $0x3  }
0x9c: {  	_ =	strace s3  }
0x9d: {  	_ =	strace $0x8FFFFFFF  }
0x9e: {  	s18 =	sld [smem:$0x3FDB];
	_ =	sdelay $0x1  }
0x9f: {  	s19 =	simm.s32 $_scs_section_size  }
0xa0: {  	s5 =	simm.s32 $_size__tile_overlayer_lowered;
	s6 =	simm.s32 $_tile_overlayer_lowered  }
0xa1: {  	s22 =	simm.s32 $0x1BFF;
	s21 =	sshll.u32 s6, $0x1;
	s3 =	sadd.s32 s19, s18  }
0xa2: {  	s7 =	simm.s32 $0x0;
	s20 =	sshll.u32 s5, $0x1;
	s5 =	sadd.s32 s21, s3  }
0xa3: {  	[timem:s7], [sflag:s22] =	dma.local [hbm:s5], s20  }
0xa4: {  	_ =	swait.ge [sflag:s22], s20  }
0xa5: {  	s4 =	ssub.s32 $0x0, s20;
	[sflag:s22] =	ssyncset.done $0x0  }
0xa6: {  	[sflag:s22] =	ssyncadd.s32 s4;
	_ =	sdelay $0x1  }
0xa7: {  	s23 =	simm.s32 $0x1B8B  }
0xa8: {  	_ =	swait.ge [sflag:s23], $0x1  }
0xa9: {  	[sflag:s23] =	ssyncset.done $0x0  }
0xaa: {  	s25 =	simm.s32 $0x1B8E;
	s24 =	sld [smem:$0x3FFE];
	[sflag:s23] =	ssyncadd.s32 $0xFFFFFFFF  }
0xab: {  	s26 =	simm.s32 $execute0_lowered;
	[smem:$0x3FD2] =	sst s25  }
0xac: {  	s5 =	sshll.u32 s26, $0x1;
	_ =	strace $0x80000049;
	[dreg:$0x1] =	wrdreg $0xFFFFFFFF  }
0xad: {  	s28 =	simm.s32 $_size_execute0_lowered;
	s3 =	sadd.s32 s3, s5;
	[dreg:$0x0] =	wrdreg $0x0  }
0xae: {  	s5 =	sshll.u32 s28, $0x1;
	[dreg:$0x2] =	wrdreg s3  }
0xaf: {  	[dreg:$0x3] =	wrdreg s5  }
0xb0: {  	[dreg:$0x4] =	wrdreg $0xC0  }
0xb1: {  	_ =	task [dreg:s7], $0x5FFFF  }
0xb2: {  	[dreg:$0x1] =	wrdreg $0xFFFFFFFF  }
0xb3: {  	[dreg:$0x0] =	wrdreg $0x60  }
0xb4: {  	[dreg:$0x2] =	wrdreg s24  }
0xb5: {  	[dreg:$0x3] =	wrdreg s16  }
0xb6: {  	[dreg:$0x4] =	wrdreg $0xA8000  }
0xb7: {  	[dreg:$0x5] =	wrdreg $0x9  }
0xb8: {  	_ =	task.clear_ibuf [dreg:s7], $0x6FFFF;
	_ =	strace $0x90000049  }
0xb9: {  	s29 =	simm.s32 $0x9;
	_ =	strace $0x8000004B  }
0xba: {  	_ =	swait.ge [sflag:s29], $0x1  }
0xbb: {  	[sflag:s29] =	ssyncadd.s32 $0xFFFFFFFF  }
0xbc: {  	_ =	strace $0x9000004B  }
0xbd: {  	_ =	sfence  }
0xbe: {  	s30 =	sld [smem:$0x0];
	_ =	sdelay $0x2  }
0xbf: {  	s31 =	sshll.u32 s1, $0xD;
	s1 =	sshrl.u32 s1, $0x2  }
0xc0: {  	s3 =	sand.u32 $0x4000, s31;
	s1 =	sadd.s32 s1, s30  }
0xc1: {  	s0 =	sor.u32 s3, s0;
	s1 =	sshll.u32 s1, $0x11  }
0xc2: {  	s0 =	sor.u32 s1, s0  }
0xc3: {  	s0 =	sadd.s32 $0x8F2B, s0  }
0xc4: {  	[sflag:s0] =	ssyncadd.remote.s32 $0x1  }
0xc5: {  	_ =	sfence.sel $0xFFFF  }
0xc6: {  	[dreg:$0x0] =	wrdreg $0xFFFFFFFF;
	(pc) =	sbr.abs _section_cstart, $3  }
0xc7: {  	[dreg:$0x1] =	wrdreg $0xFFFFFFFF  }
0xc8: {  	_ =	task.clear_ibuf [dreg:s7], $0x2FFFF;
	_ =	strace $0x9FFFFFFF  }
0xc9: {  	(tm) =	ssettm $0x7FFFFFFF  }
tec
execute0_lowered:
.L_overlay_start_1:
0x0: {  	(tag) =	ssettag $0x1  }
0x1: {  	s5 =	rddreg [dreg:$0x0]  }
0x2: {  	s14 =	rddreg [dreg:$0x1];
	s0 =	srdreg.scid  }
0x3: {  	s2 =	rddreg [dreg:$0x2];
	s1 =	stileid.u32  }
0x4: {  	s3 =	simm.s32 $0x0;
	s17 =	simm.s32 $0x3;
	s18 =	simm.s32 $0x1400  }
0x5: {  	s19 =	simm.s32 $0x80;
	s20 =	simm.s32 $0x6800;
	s21 =	simm.s32 $0x1  }
0x6: {  	s6 =	sand.u32 $0x1, s0;
	s0 =	rddreg [dreg:$0x3];
	s7 =	smul.u32 $0x14000, s1  }
0x7: {  	s22 =	simm.s32 $0x2;
	[smem:$0x7FF] =	sst s3;
	s8 =	smul.u32 $0x50000, s1  }
0x8: {  	s15 =	sadd.s32 $0x4600, s5;
	s9 =	sshll.u32 s1, $0x1;
	s4 =	smul.u32 $0x140000, s6  }
0x9: {  	_ =	strace $0x8000004A;
	s29 =	ssub.s32 $0x2, s6;
	s9 =	sor.u32 s6, s9  }
0xa: {  	s30 =	sshrl.u32 s8, $0x2;
	s31 =	sshrl.u32 s29, $0x1;
	s16 =	smul.u32 $0x500, s9  }
0xb: {  	s7 =	sadd.s32 s7, s4;
	s4 =	sadd.s32 $0x5E600, s5;
	s11 =	ssub.s32 s29, s31  }
0xc: {  	s7 =	sshrl.u32 s7, $0x3;
	s11 =	smax.u32 s11, $0x1;
	s12 =	sadd.s32 s14, s16  }
0xd: {  	s13 =	sadd.s32 s15, s16;
	s16 =	sadd.s32 $0x280, s16;
	s10 =	sadd.s32 s7, s5  }
0xe: {  	s5 =	sadd.s32 s30, s2;
	s14 =	sadd.s32 s14, s16;
	s15 =	sadd.s32 s15, s16  }
0xf: {  	s16 =	simm.s32 $0x2800;
	s6 =	sadd.s32 $0x4000, s5;
	s7 =	sadd.s32 $0x8000, s5  }
0x10: {  	v0 =	vimm.f32 $0.0e+00;
	s8 =	sadd.s32 $0xC000, s5;
	s9 =	sadd.s32 $0x10000, s5;
	s10 =	sadd.s32 $0x86600, s10  }
.LBB2_1:
0x11: {  	s23 =	simm.s32 $0x0;
	s24 =	simm.s32 $0x200  }
.LBB2_2:
0x12: {  	p0 =	sne.s32 s24, $0xFE00;
	[tilespmem:s23+$0x2870] =	vst v0  }
0x13: {  	[tilespmem:s23+$0x2800] =	vst v0  }
0x14: {  	[tilespmem:s23+$0x2810] =	vst v0  }
.Ltmp0:
0x15: {  	[tilespmem:s23+$0x2820] =	vst v0;
	(pc) =	sbr.rel @p0 .LBB2_2-.Ltmp0, $4  }
0x16: {  	[tilespmem:s23+$0x2830] =	vst v0  }
0x17: {  	[tilespmem:s23+$0x2840] =	vst v0  }
0x18: {  	[tilespmem:s23+$0x2850] =	vst v0  }
0x19: {  	[tilespmem:s23+$0x2860] =	vst v0;
	s23 =	sshra.s32 s24, $0x2;
	s24 =	sadd.s32 $0x200, s24  }
0x1a: {  	[tilespmem:s23+$0x2870] =	vst v0  }
0x1b: {  	[tilespmem:s23+$0x2800] =	vst v0  }
0x1c: {  	[tilespmem:s23+$0x2810] =	vst v0  }
0x1d: {  	[tilespmem:s23+$0x2820] =	vst v0  }
0x1e: {  	[tilespmem:s23+$0x2830] =	vst v0  }
0x1f: {  	[tilespmem:s23+$0x2840] =	vst v0  }
0x20: {  	[tilespmem:s23+$0x2850] =	vst v0  }
0x21: {  	[tilespmem:s23+$0x2860] =	vst v0  }
0x22: {  	[spmem:s5] =	stream.linear.scatter [tilespmem:s16], [sflag:$0x3], $0x4000, $0x38;
	[tilespmem:$0x1E800] =	vst v63  }
0x23: {  	_ =	swait.ge [sflag:s17], $0x4000  }
0x24: {  	[sflag:s17] =	ssyncset.done $0x0  }
0x25: {  	[sflag:s17] =	ssyncadd.s32 $0xFFFFC000  }
0x26: {  	[spmem:s6] =	stream.linear.scatter [tilespmem:s16], [sflag:$0x3], $0x4000, $0x38;
	[tilespmem:$0x1E800] =	vst v63  }
0x27: {  	_ =	swait.ge [sflag:s17], $0x4000  }
0x28: {  	[sflag:s17] =	ssyncset.done $0x0  }
0x29: {  	[sflag:s17] =	ssyncadd.s32 $0xFFFFC000  }
0x2a: {  	[spmem:s7] =	stream.linear.scatter [tilespmem:s16], [sflag:$0x3], $0x4000, $0x38;
	[tilespmem:$0x1E800] =	vst v63  }
0x2b: {  	_ =	swait.ge [sflag:s17], $0x4000  }
0x2c: {  	[sflag:s17] =	ssyncset.done $0x0  }
0x2d: {  	[sflag:s17] =	ssyncadd.s32 $0xFFFFC000  }
0x2e: {  	[spmem:s8] =	stream.linear.scatter [tilespmem:s16], [sflag:$0x3], $0x4000, $0x38;
	[tilespmem:$0x1E800] =	vst v63  }
0x2f: {  	_ =	swait.ge [sflag:s17], $0x4000  }
0x30: {  	[sflag:s17] =	ssyncset.done $0x0  }
0x31: {  	[sflag:s17] =	ssyncadd.s32 $0xFFFFC000  }
0x32: {  	[spmem:s9] =	stream.linear.scatter [tilespmem:s16], [sflag:$0x3], $0x4000, $0x38;
	[tilespmem:$0x1E800] =	vst v63  }
0x33: {  	_ =	swait.ge [sflag:s17], $0x4000  }
0x34: {  	[sflag:s17] =	ssyncset.done $0x0  }
0x35: {  	[sflag:s17] =	ssyncadd.s32 $0xFFFFC000  }
0x36: {  	s26 =	simm.s32 $0x0;
	[bflag:$0x0] =	sbarrier.arrive $0xFFFF  }
0x37: {  	[tilespmem:s26], [sflag:$0x3] =	stream.linear.gather [hbm4b:s12+s26], $0x1400, $0x38;
	[tilespmem:$0x1E800] =	vst v63  }
0x38: {  	_ =	swait.ge [sflag:s17], $0x1400  }
0x39: {  	[sflag:s17] =	ssyncset.done $0x0  }
0x3a: {  	[sflag:s17] =	ssyncadd.s32 $0xFFFFEC00  }
0x3b: {  	[tilespmem:s18], [sflag:$0x3] =	stream.linear.gather [hbm4b:s13+s26], $0x1400, $0x38;
	[tilespmem:$0x1E800] =	vst v63  }
0x3c: {  	_ =	swait.ge [sflag:s17], $0x1400  }
0x3d: {  	[sflag:s17] =	ssyncset.done $0x0  }
0x3e: {  	s28 =	simm.s32 $0x0;
	[sflag:s17] =	ssyncadd.s32 $0xFFFFEC00  }
0x3f: {  	[tilespmem:s16], [sflag:$0x1] =	stream.indirect.gather [hbm4b:s4+s19], $0x80, s28, s19, $0xb8;
	[tilespmem:$0x1E800] =	vst v63  }
0x40: {  	s29 =	simm.s32 $0x80  }
0x41: {  	[tilespmem:s20], [sflag:$0x2] =	stream.indirect.gather [hbm4b:s4+s19], $0x80, s29, s19, $0xb8;
	[tilespmem:$0x1E800] =	vst v63  }
0x42: {  	_ =	swait.ge [sflag:s21], $0x4000  }
0x43: {  	[sflag:s21] =	ssyncset.done $0x0  }
0x44: {  	s30 =	simm.s32 $0x1400;
	[sflag:s21] =	ssyncadd.s32 $0xFFFFC000  }
0x45: {  	[spmem:s2] =	stream.indirect.scatter.add.f32 [tilespmem:s16], [sflag:$0x3], $0x80, s30, s19, $0xb8;
	[tilespmem:$0x1E800] =	vst v63  }
0x46: {  	_ =	swait.ge [sflag:s17], $0x4000  }
0x47: {  	[sflag:s17] =	ssyncset.done $0x0  }
0x48: {  	[sflag:s17] =	ssyncadd.s32 $0xFFFFC000  }
0x49: {  	_ =	swait.ge [sflag:s22], $0x4000  }
0x4a: {  	[sflag:s22] =	ssyncset.done $0x0  }
0x4b: {  	s31 =	simm.s32 $0x1480;
	[sflag:s22] =	ssyncadd.s32 $0xFFFFC000  }
0x4c: {  	[spmem:s2] =	stream.indirect.scatter.add.f32 [tilespmem:s20], [sflag:$0x3], $0x80, s31, s19, $0xb8;
	[tilespmem:$0x1E800] =	vst v63  }
0x4d: {  	_ =	swait.ge [sflag:s17], $0x4000  }
0x4e: {  	s23 =	simm.s32 $0x400;
	s24 =	simm.s32 $0x800;
	[sflag:s17] =	ssyncset.done $0x0  }
.LBB2_4:
0x4f: {  	s25 =	sshra.s32 s23, $0x2  }
0x50: {  	[sflag:s17] =	ssyncadd.s32 $0xFFFFC000;
	s23 =	smov.u32 s24;
	s26 =	sadd.s32 $0x400, s24  }
0x51: {  	[tilespmem:s16], [sflag:$0x1] =	stream.indirect.gather [hbm4b:s4+s19], $0x80, s25, s19, $0xb8;
	[tilespmem:$0x1E800] =	vst v63  }
0x52: {  	p0 =	sne.s32 s24, $0x4C00;
	s24 =	sadd.s32 $0x80, s25  }
0x53: {  	[tilespmem:s20], [sflag:$0x2] =	stream.indirect.gather [hbm4b:s4+s19], $0x80, s24, s19, $0xb8;
	[tilespmem:$0x1E800] =	vst v63  }
0x54: {  	_ =	swait.ge [sflag:s21], $0x4000  }
0x55: {  	[sflag:s21] =	ssyncset.done $0x0  }
0x56: {  	s24 =	sadd.s32 $0x1400, s25;
	[sflag:s21] =	ssyncadd.s32 $0xFFFFC000  }
0x57: {  	[spmem:s2] =	stream.indirect.scatter.add.f32 [tilespmem:s16], [sflag:$0x3], $0x80, s24, s19, $0xb8;
	[tilespmem:$0x1E800] =	vst v63  }
0x58: {  	_ =	swait.ge [sflag:s17], $0x4000  }
0x59: {  	[sflag:s17] =	ssyncset.done $0x0  }
0x5a: {  	[sflag:s17] =	ssyncadd.s32 $0xFFFFC000  }
0x5b: {  	_ =	swait.ge [sflag:s22], $0x4000  }
.Ltmp1:
0x5c: {  	[sflag:s22] =	ssyncset.done $0x0;
	(pc) =	sbr.rel @p0 .LBB2_4-.Ltmp1, $4  }
0x5d: {  	s24 =	sadd.s32 $0x1480, s25;
	[sflag:s22] =	ssyncadd.s32 $0xFFFFC000  }
0x5e: {  	[spmem:s2] =	stream.indirect.scatter.add.f32 [tilespmem:s20], [sflag:$0x3], $0x80, s24, s19, $0xb8;
	[tilespmem:$0x1E800] =	vst v63  }
0x5f: {  	_ =	swait.ge [sflag:s17], $0x4000  }
0x60: {  	s24 =	smov.u32 s26;
	[sflag:s17] =	ssyncset.done $0x0  }
0x61: {  	s23 =	sshra.s32 s23, $0x2;
	[sflag:s17] =	ssyncadd.s32 $0xFFFFC000  }
0x62: {  	[tilespmem:s16], [sflag:$0x1] =	stream.indirect.gather [hbm4b:s4+s19], $0x80, s23, s19, $0xb8;
	[tilespmem:$0x1E800] =	vst v63  }
0x63: {  	s24 =	sadd.s32 $0x80, s23  }
0x64: {  	[tilespmem:s20], [sflag:$0x2] =	stream.indirect.gather [hbm4b:s4+s19], $0x80, s24, s19, $0xb8;
	[tilespmem:$0x1E800] =	vst v63  }
0x65: {  	_ =	swait.ge [sflag:s21], $0x4000  }
0x66: {  	[sflag:s21] =	ssyncset.done $0x0  }
0x67: {  	s25 =	sadd.s32 $0x1400, s23;
	[sflag:s21] =	ssyncadd.s32 $0xFFFFC000  }
0x68: {  	[spmem:s2] =	stream.indirect.scatter.add.f32 [tilespmem:s16], [sflag:$0x3], $0x80, s25, s19, $0xb8;
	[tilespmem:$0x1E800] =	vst v63  }
0x69: {  	_ =	swait.ge [sflag:s17], $0x4000  }
0x6a: {  	[sflag:s17] =	ssyncset.done $0x0  }
0x6b: {  	[sflag:s17] =	ssyncadd.s32 $0xFFFFC000  }
0x6c: {  	_ =	swait.ge [sflag:s22], $0x4000  }
0x6d: {  	[sflag:s22] =	ssyncset.done $0x0  }
0x6e: {  	s23 =	sadd.s32 $0x1480, s23;
	[sflag:s22] =	ssyncadd.s32 $0xFFFFC000  }
0x6f: {  	[spmem:s2] =	stream.indirect.scatter.add.f32 [tilespmem:s20], [sflag:$0x3], $0x80, s23, s19, $0xb8;
	[tilespmem:$0x1E800] =	vst v63  }
0x70: {  	_ =	swait.ge [sflag:s17], $0x4000  }
0x71: {  	[sflag:s17] =	ssyncset.done $0x0  }
0x72: {  	s26 =	simm.s32 $0x0;
	[sflag:s17] =	ssyncadd.s32 $0xFFFFC000  }
0x73: {  	[tilespmem:s26], [sflag:$0x3] =	stream.linear.gather [hbm4b:s14+s26], $0x1400, $0x38;
	[tilespmem:$0x1E800] =	vst v63  }
0x74: {  	_ =	swait.ge [sflag:s17], $0x1400  }
0x75: {  	[sflag:s17] =	ssyncset.done $0x0  }
0x76: {  	[sflag:s17] =	ssyncadd.s32 $0xFFFFEC00  }
0x77: {  	[tilespmem:s18], [sflag:$0x3] =	stream.linear.gather [hbm4b:s15+s26], $0x1400, $0x38;
	[tilespmem:$0x1E800] =	vst v63  }
0x78: {  	_ =	swait.ge [sflag:s17], $0x1400  }
0x79: {  	[sflag:s17] =	ssyncset.done $0x0  }
0x7a: {  	s28 =	simm.s32 $0x0;
	[sflag:s17] =	ssyncadd.s32 $0xFFFFEC00  }
0x7b: {  	[tilespmem:s16], [sflag:$0x1] =	stream.indirect.gather [hbm4b:s4+s19], $0x80, s28, s19, $0xb8;
	[tilespmem:$0x1E800] =	vst v63  }
0x7c: {  	s29 =	simm.s32 $0x80  }
0x7d: {  	[tilespmem:s20], [sflag:$0x2] =	stream.indirect.gather [hbm4b:s4+s19], $0x80, s29, s19, $0xb8;
	[tilespmem:$0x1E800] =	vst v63  }
0x7e: {  	_ =	swait.ge [sflag:s21], $0x4000  }
0x7f: {  	[sflag:s21] =	ssyncset.done $0x0  }
0x80: {  	s30 =	simm.s32 $0x1400;
	[sflag:s21] =	ssyncadd.s32 $0xFFFFC000  }
0x81: {  	[spmem:s2] =	stream.indirect.scatter.add.f32 [tilespmem:s16], [sflag:$0x3], $0x80, s30, s19, $0xb8;
	[tilespmem:$0x1E800] =	vst v63  }
0x82: {  	_ =	swait.ge [sflag:s17], $0x4000  }
0x83: {  	[sflag:s17] =	ssyncset.done $0x0  }
0x84: {  	[sflag:s17] =	ssyncadd.s32 $0xFFFFC000  }
0x85: {  	_ =	swait.ge [sflag:s22], $0x4000  }
0x86: {  	[sflag:s22] =	ssyncset.done $0x0  }
0x87: {  	s31 =	simm.s32 $0x1480;
	[sflag:s22] =	ssyncadd.s32 $0xFFFFC000  }
0x88: {  	[spmem:s2] =	stream.indirect.scatter.add.f32 [tilespmem:s20], [sflag:$0x3], $0x80, s31, s19, $0xb8;
	[tilespmem:$0x1E800] =	vst v63  }
0x89: {  	_ =	swait.ge [sflag:s17], $0x4000  }
0x8a: {  	s24 =	simm.s32 $0x800;
	s23 =	simm.s32 $0x400;
	[sflag:s17] =	ssyncset.done $0x0  }
.LBB2_6:
0x8b: {  	s25 =	sshra.s32 s23, $0x2  }
0x8c: {  	[sflag:s17] =	ssyncadd.s32 $0xFFFFC000;
	s23 =	smov.u32 s24;
	s26 =	sadd.s32 $0x400, s24  }
0x8d: {  	[tilespmem:s16], [sflag:$0x1] =	stream.indirect.gather [hbm4b:s4+s19], $0x80, s25, s19, $0xb8;
	[tilespmem:$0x1E800] =	vst v63  }
0x8e: {  	p0 =	sne.s32 s24, $0x4C00;
	s24 =	sadd.s32 $0x80, s25  }
0x8f: {  	[tilespmem:s20], [sflag:$0x2] =	stream.indirect.gather [hbm4b:s4+s19], $0x80, s24, s19, $0xb8;
	[tilespmem:$0x1E800] =	vst v63  }
0x90: {  	_ =	swait.ge [sflag:s21], $0x4000  }
0x91: {  	[sflag:s21] =	ssyncset.done $0x0  }
0x92: {  	s24 =	sadd.s32 $0x1400, s25;
	[sflag:s21] =	ssyncadd.s32 $0xFFFFC000  }
0x93: {  	[spmem:s2] =	stream.indirect.scatter.add.f32 [tilespmem:s16], [sflag:$0x3], $0x80, s24, s19, $0xb8;
	[tilespmem:$0x1E800] =	vst v63  }
0x94: {  	_ =	swait.ge [sflag:s17], $0x4000  }
0x95: {  	[sflag:s17] =	ssyncset.done $0x0  }
0x96: {  	[sflag:s17] =	ssyncadd.s32 $0xFFFFC000  }
0x97: {  	_ =	swait.ge [sflag:s22], $0x4000  }
.Ltmp2:
0x98: {  	[sflag:s22] =	ssyncset.done $0x0;
	(pc) =	sbr.rel @p0 .LBB2_6-.Ltmp2, $4  }
0x99: {  	s24 =	sadd.s32 $0x1480, s25;
	[sflag:s22] =	ssyncadd.s32 $0xFFFFC000  }
0x9a: {  	[spmem:s2] =	stream.indirect.scatter.add.f32 [tilespmem:s20], [sflag:$0x3], $0x80, s24, s19, $0xb8;
	[tilespmem:$0x1E800] =	vst v63  }
0x9b: {  	_ =	swait.ge [sflag:s17], $0x4000  }
0x9c: {  	s24 =	smov.u32 s26;
	[sflag:s17] =	ssyncset.done $0x0  }
0x9d: {  	s23 =	sshra.s32 s23, $0x2;
	[sflag:s17] =	ssyncadd.s32 $0xFFFFC000  }
0x9e: {  	[tilespmem:s16], [sflag:$0x1] =	stream.indirect.gather [hbm4b:s4+s19], $0x80, s23, s19, $0xb8;
	[tilespmem:$0x1E800] =	vst v63  }
0x9f: {  	s24 =	sadd.s32 $0x80, s23  }
0xa0: {  	[tilespmem:s20], [sflag:$0x2] =	stream.indirect.gather [hbm4b:s4+s19], $0x80, s24, s19, $0xb8;
	[tilespmem:$0x1E800] =	vst v63  }
0xa1: {  	_ =	swait.ge [sflag:s21], $0x4000  }
0xa2: {  	[sflag:s21] =	ssyncset.done $0x0  }
0xa3: {  	s29 =	sadd.s32 $0x1400, s23;
	[sflag:s21] =	ssyncadd.s32 $0xFFFFC000  }
0xa4: {  	[spmem:s2] =	stream.indirect.scatter.add.f32 [tilespmem:s16], [sflag:$0x3], $0x80, s29, s19, $0xb8;
	[tilespmem:$0x1E800] =	vst v63  }
0xa5: {  	_ =	swait.ge [sflag:s17], $0x4000  }
0xa6: {  	[sflag:s17] =	ssyncset.done $0x0  }
0xa7: {  	[sflag:s17] =	ssyncadd.s32 $0xFFFFC000  }
0xa8: {  	_ =	swait.ge [sflag:s22], $0x4000  }
0xa9: {  	[sflag:s22] =	ssyncset.done $0x0  }
0xaa: {  	s23 =	sadd.s32 $0x1480, s23;
	[sflag:s22] =	ssyncadd.s32 $0xFFFFC000  }
0xab: {  	[spmem:s2] =	stream.indirect.scatter.add.f32 [tilespmem:s20], [sflag:$0x3], $0x80, s23, s19, $0xb8;
	[tilespmem:$0x1E800] =	vst v63  }
0xac: {  	_ =	swait.ge [sflag:s17], $0x4000  }
0xad: {  	s30 =	sshll.u32 s1, $0x6;
	s3 =	sadd.s32 $0x1, s3;
	[sflag:s17] =	ssyncset.done $0x0  }
0xae: {  	s31 =	sshrl.u32 s5, $0x3;
	p0 =	sne.s32 s3, s11;
	[sflag:s17] =	ssyncadd.s32 $0xFFFFC000  }
.Ltmp3:
0xaf: {  	s23 =	sor.u32 $0x1C03, s30;
	[bflag:$0x0] =	sbarrier.arrive $0xFFFF;
	(pc) =	sbr.rel @p0 .LBB2_1-.Ltmp3, $4  }
0xb0: {  	[hbm:s10], [sflag:s23] =	dma.local [spmem:s31], $0x2800  }
0xb1: {  	_ =	swait.ge [sflag:s17], $0x2800  }
0xb2: {  	[sflag:s17] =	ssyncset.done $0x0  }
0xb3: {  	[sflag:s17] =	ssyncadd.s32 $0xFFFFD800  }
0xb4: {  	_ =	sfence.sel $0x180000  }
0xb5: {  	[bflag:$0x0] =	sbarrier.arrive $0xFFFF  }
0xb6: {  	p0 =	sne.s32 s1, $0x0;
	_ =	strace $0x9000004A  }
0xb7: {  	s0 =	sadd.s32 @!p0 $0x100000, s0;
	[bflag:$0x2] =	sbarrier.arrive $0xFFFF  }
0xb8: {  	[sflag:s0] =	ssyncadd.tile.s32 @!p0 $0x1;
	_ =	shalt  }
.Lfunc_end2:
_tile_overlayer_lowered:
.L_overlay_start_2:
0xb9: {  	(tag) =	ssettag $0x2  }
0xba: {  	s0 =	rddreg [dreg:$0x0];
	s2 =	stileid.u32  }
0xbb: {  	s1 =	rddreg [dreg:$0x1];
	p0 =	sne.s32 s2, $0x0  }
0xbc: {  	s3 =	rddreg [dreg:$0x2];
	[bflag:$0x3] =	sbarrier.arrive $0xFFFF;
	s2 =	simm.s32 @!p0 $0x1C03  }
0xbd: {  	[timem:s3], [sflag:s2] =	dma.local @!p0 [hbm:s0], s1  }
0xbe: {  	s0 =	simm.s32 @!p0 $0x3  }
0xbf: {  	_ =	swait.ge @!p0 [sflag:s0], s1  }
0xc0: {  	s1 =	ssub.s32 @!p0 $0x0, s1;
	[sflag:s0] =	ssyncset.done @!p0 $0x0  }
0xc1: {  	[sflag:s0] =	ssyncadd.s32 @!p0 s1  }
0xc2: {  	[bflag:$0x3] =	sbarrier.arrive $0xFFFF  }
0xc3: {  	_ =	shalt  }

// kernel: kernel.16.cloned.1.call-start
scs
__scs_entry_jumppad:
0x0: {  	(pc) =	sbr.rel $0x88, $3  }
0x1: {  	(tag) =	ssettag $0x0;
	lr =	simm.s32 $0x1  }
0x2: {  	[smem:$0x3F97] =	sst lr;
	_ =	strace $0xD0000000  }
0x3: {  	_ = 	snop  }
0x4: {  	_ = 	snop  }
0x5: {  	_ = 	snop  }
0x6: {  	_ = 	snop  }
0x7: {  	_ = 	snop  }
__scs_overlays_trampoline_lowered:
0x8: {  	[smem:$0x3FA6] =	sst s0  }
0x9: {  	[smem:$0x3FA7] =	sst s1  }
0xa: {  	[smem:$0x3FA8] =	sst s2  }
0xb: {  	[smem:$0x3FA9] =	sst s3  }
0xc: {  	[smem:$0x3FAA] =	sst s4  }
0xd: {  	[smem:$0x3FAB] =	sst s5  }
0xe: {  	[smem:$0x3FAC] =	sst s6  }
0xf: {  	[smem:$0x3FAD] =	sst s7  }
0x10: {  	[smem:$0x3FAE] =	sst s8  }
0x11: {  	[smem:$0x3FAF] =	sst s9;
	s0 =	simm.s32 @!p0 $0x0  }
0x12: {  	s1 =	sld [smem:$0x3F95];
	s0 =	simm.s32 @p0 $0x1  }
0x13: {  	[smem:$0x3FB0] =	sst s0;
	s0 =	simm.s32 @!p1 $0x0  }
0x14: {  	s2 =	sld [smem:$0x3F94];
	s0 =	simm.s32 @p1 $0x1  }
0x15: {  	[smem:$0x3FB1] =	sst s0;
	s0 =	simm.s32 @!p2 $0x0  }
0x16: {  	s3 =	sld [smem:$0x3FDB];
	s0 =	simm.s32 @p2 $0x1  }
0x17: {  	s4 =	simm.s32 $0x1BF5;
	[smem:$0x3FB3] =	sst s0  }
0x18: {  	s0 =	sld [smem:$0x3F96];
	_ =	swait.ge [sflag:s4], $0x0  }
0x19: {  	s7 =	sld [smem:$0x3F97]  }
0x1a: {  	s8 =	sadd.s32 $0xFFFFE003, lr  }
0x1b: {  	s9 =	sadd.s32 $0xFFFFFEF7, lr;
	s5 =	simm.s32 $0xFFFFFFFF;
	p2 =	slt.u32 s8, $0xFFFFF086  }
0x1c: {  	p1 =	slt.u32 s9, $0xF7A;
	s5 =	simm.s32 @!p2 $0x0  }
0x1d: {  	s5 =	simm.s32 @p1 $0x1;
	p0 =	seq.s32 s7, s2  }
0x1e: {  	s7 =	smul.u32 @!p0 $0xF7A, s2;
	p2 =	seq.s32 @!p0 s5, $0x0  }
0x1f: {  	s9 =	smul.u32 $0xF7A, s1;
	s8 =	simm.s32 @!p0 $0x1BF5;
	p2 =	por !p2, p0  }
0x20: {  	[sflag:s8] =	ssyncset.s32 @!p0 $0xFFFFF086;
	s6 =	sadd.s32 @!p0 s3, s7;
	s7 =	simm.s32 @!p0 $0x108  }
0x21: {  	s3 =	sadd.s32 s3, s9;
	s6 =	sadd.s32 @!p0 $0x88, s6;
	s7 =	simm.s32 @p2 $0x1082  }
0x22: {  	[simem:s7], [sflag:s8] =	dma.local @!p0 [hbm:s6], $0xF7A  }
0x23: {  	s9 =	sor.u32 $0xD0000000, s2;
	s6 =	simm.s32 $0x108;
	_ =	swait.ge @!p0 [sflag:s8], $0x0  }
0x24: {  	s3 =	sadd.s32 $0x88, s3;
	s6 =	simm.s32 @!p1 $0x1082;
	[sflag:s4] =	ssyncset.s32 $0xFFFFF086  }
0x25: {  	[simem:s6], [sflag:s4] =	dma.local [hbm:s3], $0xF7A  }
0x26: {  	[smem:$0x3F97] =	sst s1;
	(tag) =	ssettag s2;
	_ =	strace s9  }
0x27: {  	s1 =	sld [smem:$0x3FA7]  }
0x28: {  	s2 =	sld [smem:$0x3FA8]  }
0x29: {  	s4 =	sld [smem:$0x3FAA]  }
0x2a: {  	p0 =	seq.s32 s5, $0x0;
	s5 =	sld [smem:$0x3FAB]  }
0x2b: {  	s6 =	sld [smem:$0x3FAC]  }
0x2c: {  	s7 =	sld [smem:$0x3FAD]  }
0x2d: {  	s3 =	simm.s32 $0x108;
	s8 =	sld [smem:$0x3FAE]  }
0x2e: {  	s3 =	simm.s32 @!p0 $0x1082;
	s9 =	sld [smem:$0x3FAF]  }
0x2f: {  	lr =	sadd.s32 s0, s3;
	s0 =	sld [smem:$0x3FA6]  }
0x30: {  	s3 =	sld [smem:$0x3FA9]  }
0x31: {  	[smem:$0x3FB2] =	sst s10  }
0x32: {  	s10 =	sld [smem:$0x3FB0];
	_ =	sdelay $0x3  }
0x33: {  	p0 =	seq.s32 s10, $0x1;
	s10 =	sld [smem:$0x3FB2];
	_ =	sdelay $0x3  }
0x34: {  	[smem:$0x3FB2] =	sst s10  }
0x35: {  	s10 =	sld [smem:$0x3FB1];
	_ =	sdelay $0x3  }
0x36: {  	p1 =	seq.s32 s10, $0x1;
	s10 =	sld [smem:$0x3FB2];
	_ =	sdelay $0x3  }
0x37: {  	[smem:$0x3FB2] =	sst s10  }
0x38: {  	s10 =	sld [smem:$0x3FB3]  }
0x39: {  	_ = 	snop;
	(pc) =	sbr.ind lr, $3  }
0x3a: {  	_ = 	snop  }
0x3b: {  	_ = 	snop  }
0x3c: {  	p2 =	seq.s32 s10, $0x1;
	s10 =	sld [smem:$0x3FB2]  }
0x3d: {  	_ =	shalt  }
0x3e: {  	_ =	shalt  }
0x3f: {  	_ =	shalt  }
0x40: {  	_ =	shalt  }
0x41: {  	_ =	shalt  }
0x42: {  	_ =	shalt  }
0x43: {  	_ =	shalt  }
0x44: {  	_ =	shalt  }
0x45: {  	_ =	shalt  }
0x46: {  	_ =	shalt  }
0x47: {  	_ =	shalt  }
0x48: {  	_ =	shalt  }
0x49: {  	_ =	shalt  }
0x4a: {  	_ =	shalt  }
0x4b: {  	_ =	shalt  }
0x4c: {  	_ =	shalt  }
0x4d: {  	_ =	shalt  }
0x4e: {  	_ =	shalt  }
0x4f: {  	_ =	shalt  }
0x50: {  	_ =	shalt  }
0x51: {  	_ =	shalt  }
0x52: {  	_ =	shalt  }
0x53: {  	_ =	shalt  }
0x54: {  	_ =	shalt  }
0x55: {  	_ =	shalt  }
0x56: {  	_ =	shalt  }
0x57: {  	_ =	shalt  }
0x58: {  	_ =	shalt  }
0x59: {  	_ =	shalt  }
0x5a: {  	_ =	shalt  }
0x5b: {  	_ =	shalt  }
0x5c: {  	_ =	shalt  }
0x5d: {  	_ =	shalt  }
0x5e: {  	_ =	shalt  }
0x5f: {  	_ =	shalt  }
0x60: {  	_ =	shalt  }
0x61: {  	_ =	shalt  }
0x62: {  	_ =	shalt  }
0x63: {  	_ =	shalt  }
0x64: {  	_ =	shalt  }
0x65: {  	_ =	shalt  }
0x66: {  	_ =	shalt  }
0x67: {  	_ =	shalt  }
0x68: {  	_ =	shalt  }
0x69: {  	_ =	shalt  }
0x6a: {  	_ =	shalt  }
0x6b: {  	_ =	shalt  }
0x6c: {  	_ =	shalt  }
0x6d: {  	_ =	shalt  }
0x6e: {  	_ =	shalt  }
0x6f: {  	_ =	shalt  }
0x70: {  	_ =	shalt  }
0x71: {  	_ =	shalt  }
0x72: {  	_ =	shalt  }
0x73: {  	_ =	shalt  }
0x74: {  	_ =	shalt  }
0x75: {  	_ =	shalt  }
0x76: {  	_ =	shalt  }
0x77: {  	_ =	shalt  }
0x78: {  	_ =	shalt  }
0x79: {  	_ =	shalt  }
0x7a: {  	_ =	shalt  }
0x7b: {  	_ =	shalt  }
0x7c: {  	_ =	shalt  }
0x7d: {  	_ =	shalt  }
0x7e: {  	_ =	shalt  }
0x7f: {  	_ =	shalt  }
0x80: {  	_ =	shalt  }
0x81: {  	_ =	shalt  }
0x82: {  	_ =	shalt  }
0x83: {  	_ =	shalt  }
0x84: {  	_ =	shalt  }
0x85: {  	_ =	shalt  }
0x86: {  	_ =	shalt  }
0x87: {  	_ =	shalt  }
.Lfunc_end0:
.L_simem_size_0:
called_computation.2_lowered:
.L_overlay_start_0:
0x88: {  	s2 =	sld [smem:$0x3FD9]  }
0x89: {  	s3 =	sld [smem:$0x3FFE];
	_ =	sdelay $0x1  }
0x8a: {  	s1 =	srdreg.scid  }
0x8b: {  	s0 =	sand.u32 $0x1, s1  }
0x8c: {  	s14 =	sshll.u32 s0, $0xA;
	s2 =	sadd.s32 s3, s2  }
0x8d: {  	s2 =	sadd.s32 s2, s14  }
0x8e: {  	[smem:$0x3FBE] =	sst s2  }
0x8f: {  	_ = 	snop  }
0x90: {  	s2 =	sld [smem:$0x3FD0];
	_ =	sdelay $0x2  }
0x91: {  	s15 =	simm.s32 $0xA;
	s4 =	simm.s32 $0x10  }
0x92: {  	[smem:s4], [sflag:s15] =	dma.local [hbm:s2], $0x1  }
0x93: {  	_ =	swait.eq [sflag:s15], $0x1  }
0x94: {  	[sflag:s15] =	ssyncset.done $0x0  }
0x95: {  	[sflag:s15] =	ssyncadd.s32 $0xFFFFFFFF  }
0x96: {  	s16 =	sld [smem:$0x11];
	(tm) =	ssettm $0x1  }
0x97: {  	s17 =	sld [smem:$0x3FFB];
	_ =	sdelay $0x3  }
0x98: {  	_ =	strace s17  }
0x99: {  	s3 =	sld [smem:$0x3FFC];
	_ =	sdelay $0x3  }
0x9a: {  	_ =	strace s3  }
0x9b: {  	s3 =	sld [smem:$0x3FFD];
	_ =	sdelay $0x3  }
0x9c: {  	_ =	strace s3  }
0x9d: {  	_ =	strace $0x8FFFFFFF  }
0x9e: {  	s18 =	sld [smem:$0x3FDB];
	_ =	sdelay $0x1  }
0x9f: {  	s19 =	simm.s32 $_scs_section_size  }
0xa0: {  	s5 =	simm.s32 $_size__tile_overlayer_lowered;
	s6 =	simm.s32 $_tile_overlayer_lowered  }
0xa1: {  	s22 =	simm.s32 $0x1BFF;
	s21 =	sshll.u32 s6, $0x1;
	s3 =	sadd.s32 s19, s18  }
0xa2: {  	s7 =	simm.s32 $0x0;
	s20 =	sshll.u32 s5, $0x1;
	s5 =	sadd.s32 s21, s3  }
0xa3: {  	[timem:s7], [sflag:s22] =	dma.local [hbm:s5], s20  }
0xa4: {  	_ =	swait.ge [sflag:s22], s20  }
0xa5: {  	s4 =	ssub.s32 $0x0, s20;
	[sflag:s22] =	ssyncset.done $0x0  }
0xa6: {  	[sflag:s22] =	ssyncadd.s32 s4;
	_ =	sdelay $0x1  }
0xa7: {  	s23 =	simm.s32 $0x1B8B  }
0xa8: {  	_ =	swait.ge [sflag:s23], $0x1  }
0xa9: {  	[sflag:s23] =	ssyncset.done $0x0  }
0xaa: {  	s25 =	simm.s32 $0x1B8E;
	s24 =	sld [smem:$0x3FFE];
	[sflag:s23] =	ssyncadd.s32 $0xFFFFFFFF  }
0xab: {  	s26 =	simm.s32 $execute0_lowered;
	[smem:$0x3FD2] =	sst s25  }
0xac: {  	s5 =	sshll.u32 s26, $0x1;
	_ =	strace $0x8000004C;
	[dreg:$0x1] =	wrdreg $0xFFFFFFFF  }
0xad: {  	s28 =	simm.s32 $_size_execute0_lowered;
	s3 =	sadd.s32 s3, s5;
	[dreg:$0x0] =	wrdreg $0x0  }
0xae: {  	s5 =	sshll.u32 s28, $0x1;
	[dreg:$0x2] =	wrdreg s3  }
0xaf: {  	[dreg:$0x3] =	wrdreg s5  }
0xb0: {  	[dreg:$0x4] =	wrdreg $0xC0  }
0xb1: {  	_ =	task [dreg:s7], $0x5FFFF  }
0xb2: {  	[dreg:$0x1] =	wrdreg $0xFFFFFFFF  }
0xb3: {  	[dreg:$0x0] =	wrdreg $0x60  }
0xb4: {  	[dreg:$0x2] =	wrdreg s24  }
0xb5: {  	[dreg:$0x3] =	wrdreg s16  }
0xb6: {  	[dreg:$0x4] =	wrdreg $0xA8000  }
0xb7: {  	[dreg:$0x5] =	wrdreg $0x9  }
0xb8: {  	_ =	task.clear_ibuf [dreg:s7], $0x6FFFF;
	_ =	strace $0x9000004C  }
0xb9: {  	s29 =	simm.s32 $0x9;
	_ =	strace $0x8000004E  }
0xba: {  	_ =	swait.ge [sflag:s29], $0x1  }
0xbb: {  	[sflag:s29] =	ssyncadd.s32 $0xFFFFFFFF  }
0xbc: {  	_ =	strace $0x9000004E  }
0xbd: {  	_ =	sfence  }
0xbe: {  	s30 =	sld [smem:$0x0];
	_ =	sdelay $0x2  }
0xbf: {  	s31 =	sshll.u32 s1, $0xD;
	s1 =	sshrl.u32 s1, $0x2  }
0xc0: {  	s3 =	sand.u32 $0x4000, s31;
	s1 =	sadd.s32 s1, s30  }
0xc1: {  	s0 =	sor.u32 s3, s0;
	s1 =	sshll.u32 s1, $0x11  }
0xc2: {  	s0 =	sor.u32 s1, s0  }
0xc3: {  	s0 =	sadd.s32 $0x8F2B, s0  }
0xc4: {  	[sflag:s0] =	ssyncadd.remote.s32 $0x1  }
0xc5: {  	_ =	sfence.sel $0xFFFF  }
0xc6: {  	[dreg:$0x0] =	wrdreg $0xFFFFFFFF;
	(pc) =	sbr.abs _section_cstart, $3  }
0xc7: {  	[dreg:$0x1] =	wrdreg $0xFFFFFFFF  }
0xc8: {  	_ =	task.clear_ibuf [dreg:s7], $0x2FFFF;
	_ =	strace $0x9FFFFFFF  }
0xc9: {  	(tm) =	ssettm $0x7FFFFFFF  }
tec
execute0_lowered:
.L_overlay_start_1:
0x0: {  	(tag) =	ssettag $0x1  }
0x1: {  	s5 =	rddreg [dreg:$0x0]  }
0x2: {  	s14 =	rddreg [dreg:$0x1];
	s0 =	srdreg.scid  }
0x3: {  	s2 =	rddreg [dreg:$0x2];
	s1 =	stileid.u32  }
0x4: {  	s3 =	simm.s32 $0x0;
	s17 =	simm.s32 $0x3;
	s18 =	simm.s32 $0x1400  }
0x5: {  	s19 =	simm.s32 $0x80;
	s20 =	simm.s32 $0x6800;
	s21 =	simm.s32 $0x1  }
0x6: {  	s6 =	sand.u32 $0x1, s0;
	s0 =	rddreg [dreg:$0x3];
	s7 =	smul.u32 $0x14000, s1  }
0x7: {  	s22 =	simm.s32 $0x2;
	[smem:$0x7FF] =	sst s3;
	s8 =	smul.u32 $0x50000, s1  }
0x8: {  	s15 =	sadd.s32 $0x4600, s5;
	s9 =	sshll.u32 s1, $0x1;
	s4 =	smul.u32 $0x140000, s6  }
0x9: {  	_ =	strace $0x8000004D;
	s29 =	ssub.s32 $0x2, s6;
	s9 =	sor.u32 s6, s9  }
0xa: {  	s30 =	sshrl.u32 s8, $0x2;
	s31 =	sshrl.u32 s29, $0x1;
	s16 =	smul.u32 $0x500, s9  }
0xb: {  	s7 =	sadd.s32 s7, s4;
	s4 =	sadd.s32 $0x5E600, s5;
	s11 =	ssub.s32 s29, s31  }
0xc: {  	s7 =	sshrl.u32 s7, $0x3;
	s11 =	smax.u32 s11, $0x1;
	s12 =	sadd.s32 s14, s16  }
0xd: {  	s13 =	sadd.s32 s15, s16;
	s16 =	sadd.s32 $0x280, s16;
	s10 =	sadd.s32 s7, s5  }
0xe: {  	s5 =	sadd.s32 s30, s2;
	s14 =	sadd.s32 s14, s16;
	s15 =	sadd.s32 s15, s16  }
0xf: {  	s16 =	simm.s32 $0x2800;
	s6 =	sadd.s32 $0x4000, s5;
	s7 =	sadd.s32 $0x8000, s5  }
0x10: {  	v0 =	vimm.f32 $0.0e+00;
	s8 =	sadd.s32 $0xC000, s5;
	s9 =	sadd.s32 $0x10000, s5;
	s10 =	sadd.s32 $0x86600, s10  }
.LBB2_1:
0x11: {  	s23 =	simm.s32 $0x0;
	s24 =	simm.s32 $0x200  }
.LBB2_2:
0x12: {  	p0 =	sne.s32 s24, $0xFE00;
	[tilespmem:s23+$0x2870] =	vst v0  }
0x13: {  	[tilespmem:s23+$0x2800] =	vst v0  }
0x14: {  	[tilespmem:s23+$0x2810] =	vst v0  }
.Ltmp0:
0x15: {  	[tilespmem:s23+$0x2820] =	vst v0;
	(pc) =	sbr.rel @p0 .LBB2_2-.Ltmp0, $4  }
0x16: {  	[tilespmem:s23+$0x2830] =	vst v0  }
0x17: {  	[tilespmem:s23+$0x2840] =	vst v0  }
0x18: {  	[tilespmem:s23+$0x2850] =	vst v0  }
0x19: {  	[tilespmem:s23+$0x2860] =	vst v0;
	s23 =	sshra.s32 s24, $0x2;
	s24 =	sadd.s32 $0x200, s24  }
0x1a: {  	[tilespmem:s23+$0x2870] =	vst v0  }
0x1b: {  	[tilespmem:s23+$0x2800] =	vst v0  }
0x1c: {  	[tilespmem:s23+$0x2810] =	vst v0  }
0x1d: {  	[tilespmem:s23+$0x2820] =	vst v0  }
0x1e: {  	[tilespmem:s23+$0x2830] =	vst v0  }
0x1f: {  	[tilespmem:s23+$0x2840] =	vst v0  }
0x20: {  	[tilespmem:s23+$0x2850] =	vst v0  }
0x21: {  	[tilespmem:s23+$0x2860] =	vst v0  }
0x22: {  	[spmem:s5] =	stream.linear.scatter [tilespmem:s16], [sflag:$0x3], $0x4000, $0x38;
	[tilespmem:$0x1E800] =	vst v63  }
0x23: {  	_ =	swait.ge [sflag:s17], $0x4000  }
0x24: {  	[sflag:s17] =	ssyncset.done $0x0  }
0x25: {  	[sflag:s17] =	ssyncadd.s32 $0xFFFFC000  }
0x26: {  	[spmem:s6] =	stream.linear.scatter [tilespmem:s16], [sflag:$0x3], $0x4000, $0x38;
	[tilespmem:$0x1E800] =	vst v63  }
0x27: {  	_ =	swait.ge [sflag:s17], $0x4000  }
0x28: {  	[sflag:s17] =	ssyncset.done $0x0  }
0x29: {  	[sflag:s17] =	ssyncadd.s32 $0xFFFFC000  }
0x2a: {  	[spmem:s7] =	stream.linear.scatter [tilespmem:s16], [sflag:$0x3], $0x4000, $0x38;
	[tilespmem:$0x1E800] =	vst v63  }
0x2b: {  	_ =	swait.ge [sflag:s17], $0x4000  }
0x2c: {  	[sflag:s17] =	ssyncset.done $0x0  }
0x2d: {  	[sflag:s17] =	ssyncadd.s32 $0xFFFFC000  }
0x2e: {  	[spmem:s8] =	stream.linear.scatter [tilespmem:s16], [sflag:$0x3], $0x4000, $0x38;
	[tilespmem:$0x1E800] =	vst v63  }
0x2f: {  	_ =	swait.ge [sflag:s17], $0x4000  }
0x30: {  	[sflag:s17] =	ssyncset.done $0x0  }
0x31: {  	[sflag:s17] =	ssyncadd.s32 $0xFFFFC000  }
0x32: {  	[spmem:s9] =	stream.linear.scatter [tilespmem:s16], [sflag:$0x3], $0x4000, $0x38;
	[tilespmem:$0x1E800] =	vst v63  }
0x33: {  	_ =	swait.ge [sflag:s17], $0x4000  }
0x34: {  	[sflag:s17] =	ssyncset.done $0x0  }
0x35: {  	[sflag:s17] =	ssyncadd.s32 $0xFFFFC000  }
0x36: {  	s26 =	simm.s32 $0x0;
	[bflag:$0x0] =	sbarrier.arrive $0xFFFF  }
0x37: {  	[tilespmem:s26], [sflag:$0x3] =	stream.linear.gather [hbm4b:s12+s26], $0x1400, $0x38;
	[tilespmem:$0x1E800] =	vst v63  }
0x38: {  	_ =	swait.ge [sflag:s17], $0x1400  }
0x39: {  	[sflag:s17] =	ssyncset.done $0x0  }
0x3a: {  	[sflag:s17] =	ssyncadd.s32 $0xFFFFEC00  }
0x3b: {  	[tilespmem:s18], [sflag:$0x3] =	stream.linear.gather [hbm4b:s13+s26], $0x1400, $0x38;
	[tilespmem:$0x1E800] =	vst v63  }
0x3c: {  	_ =	swait.ge [sflag:s17], $0x1400  }
0x3d: {  	[sflag:s17] =	ssyncset.done $0x0  }
0x3e: {  	s28 =	simm.s32 $0x0;
	[sflag:s17] =	ssyncadd.s32 $0xFFFFEC00  }
0x3f: {  	[tilespmem:s16], [sflag:$0x1] =	stream.indirect.gather [hbm4b:s4+s19], $0x80, s28, s19, $0xb8;
	[tilespmem:$0x1E800] =	vst v63  }
0x40: {  	s29 =	simm.s32 $0x80  }
0x41: {  	[tilespmem:s20], [sflag:$0x2] =	stream.indirect.gather [hbm4b:s4+s19], $0x80, s29, s19, $0xb8;
	[tilespmem:$0x1E800] =	vst v63  }
0x42: {  	_ =	swait.ge [sflag:s21], $0x4000  }
0x43: {  	[sflag:s21] =	ssyncset.done $0x0  }
0x44: {  	s30 =	simm.s32 $0x1400;
	[sflag:s21] =	ssyncadd.s32 $0xFFFFC000  }
0x45: {  	[spmem:s2] =	stream.indirect.scatter.add.f32 [tilespmem:s16], [sflag:$0x3], $0x80, s30, s19, $0xb8;
	[tilespmem:$0x1E800] =	vst v63  }
0x46: {  	_ =	swait.ge [sflag:s17], $0x4000  }
0x47: {  	[sflag:s17] =	ssyncset.done $0x0  }
0x48: {  	[sflag:s17] =	ssyncadd.s32 $0xFFFFC000  }
0x49: {  	_ =	swait.ge [sflag:s22], $0x4000  }
0x4a: {  	[sflag:s22] =	ssyncset.done $0x0  }
0x4b: {  	s31 =	simm.s32 $0x1480;
	[sflag:s22] =	ssyncadd.s32 $0xFFFFC000  }
0x4c: {  	[spmem:s2] =	stream.indirect.scatter.add.f32 [tilespmem:s20], [sflag:$0x3], $0x80, s31, s19, $0xb8;
	[tilespmem:$0x1E800] =	vst v63  }
0x4d: {  	_ =	swait.ge [sflag:s17], $0x4000  }
0x4e: {  	s23 =	simm.s32 $0x400;
	s24 =	simm.s32 $0x800;
	[sflag:s17] =	ssyncset.done $0x0  }
.LBB2_4:
0x4f: {  	s25 =	sshra.s32 s23, $0x2  }
0x50: {  	[sflag:s17] =	ssyncadd.s32 $0xFFFFC000;
	s23 =	smov.u32 s24;
	s26 =	sadd.s32 $0x400, s24  }
0x51: {  	[tilespmem:s16], [sflag:$0x1] =	stream.indirect.gather [hbm4b:s4+s19], $0x80, s25, s19, $0xb8;
	[tilespmem:$0x1E800] =	vst v63  }
0x52: {  	p0 =	sne.s32 s24, $0x4C00;
	s24 =	sadd.s32 $0x80, s25  }
0x53: {  	[tilespmem:s20], [sflag:$0x2] =	stream.indirect.gather [hbm4b:s4+s19], $0x80, s24, s19, $0xb8;
	[tilespmem:$0x1E800] =	vst v63  }
0x54: {  	_ =	swait.ge [sflag:s21], $0x4000  }
0x55: {  	[sflag:s21] =	ssyncset.done $0x0  }
0x56: {  	s24 =	sadd.s32 $0x1400, s25;
	[sflag:s21] =	ssyncadd.s32 $0xFFFFC000  }
0x57: {  	[spmem:s2] =	stream.indirect.scatter.add.f32 [tilespmem:s16], [sflag:$0x3], $0x80, s24, s19, $0xb8;
	[tilespmem:$0x1E800] =	vst v63  }
0x58: {  	_ =	swait.ge [sflag:s17], $0x4000  }
0x59: {  	[sflag:s17] =	ssyncset.done $0x0  }
0x5a: {  	[sflag:s17] =	ssyncadd.s32 $0xFFFFC000  }
0x5b: {  	_ =	swait.ge [sflag:s22], $0x4000  }
.Ltmp1:
0x5c: {  	[sflag:s22] =	ssyncset.done $0x0;
	(pc) =	sbr.rel @p0 .LBB2_4-.Ltmp1, $4  }
0x5d: {  	s24 =	sadd.s32 $0x1480, s25;
	[sflag:s22] =	ssyncadd.s32 $0xFFFFC000  }
0x5e: {  	[spmem:s2] =	stream.indirect.scatter.add.f32 [tilespmem:s20], [sflag:$0x3], $0x80, s24, s19, $0xb8;
	[tilespmem:$0x1E800] =	vst v63  }
0x5f: {  	_ =	swait.ge [sflag:s17], $0x4000  }
0x60: {  	s24 =	smov.u32 s26;
	[sflag:s17] =	ssyncset.done $0x0  }
0x61: {  	s23 =	sshra.s32 s23, $0x2;
	[sflag:s17] =	ssyncadd.s32 $0xFFFFC000  }
0x62: {  	[tilespmem:s16], [sflag:$0x1] =	stream.indirect.gather [hbm4b:s4+s19], $0x80, s23, s19, $0xb8;
	[tilespmem:$0x1E800] =	vst v63  }
0x63: {  	s24 =	sadd.s32 $0x80, s23  }
0x64: {  	[tilespmem:s20], [sflag:$0x2] =	stream.indirect.gather [hbm4b:s4+s19], $0x80, s24, s19, $0xb8;
	[tilespmem:$0x1E800] =	vst v63  }
0x65: {  	_ =	swait.ge [sflag:s21], $0x4000  }
0x66: {  	[sflag:s21] =	ssyncset.done $0x0  }
0x67: {  	s25 =	sadd.s32 $0x1400, s23;
	[sflag:s21] =	ssyncadd.s32 $0xFFFFC000  }
0x68: {  	[spmem:s2] =	stream.indirect.scatter.add.f32 [tilespmem:s16], [sflag:$0x3], $0x80, s25, s19, $0xb8;
	[tilespmem:$0x1E800] =	vst v63  }
0x69: {  	_ =	swait.ge [sflag:s17], $0x4000  }
0x6a: {  	[sflag:s17] =	ssyncset.done $0x0  }
0x6b: {  	[sflag:s17] =	ssyncadd.s32 $0xFFFFC000  }
0x6c: {  	_ =	swait.ge [sflag:s22], $0x4000  }
0x6d: {  	[sflag:s22] =	ssyncset.done $0x0  }
0x6e: {  	s23 =	sadd.s32 $0x1480, s23;
	[sflag:s22] =	ssyncadd.s32 $0xFFFFC000  }
0x6f: {  	[spmem:s2] =	stream.indirect.scatter.add.f32 [tilespmem:s20], [sflag:$0x3], $0x80, s23, s19, $0xb8;
	[tilespmem:$0x1E800] =	vst v63  }
0x70: {  	_ =	swait.ge [sflag:s17], $0x4000  }
0x71: {  	[sflag:s17] =	ssyncset.done $0x0  }
0x72: {  	s26 =	simm.s32 $0x0;
	[sflag:s17] =	ssyncadd.s32 $0xFFFFC000  }
0x73: {  	[tilespmem:s26], [sflag:$0x3] =	stream.linear.gather [hbm4b:s14+s26], $0x1400, $0x38;
	[tilespmem:$0x1E800] =	vst v63  }
0x74: {  	_ =	swait.ge [sflag:s17], $0x1400  }
0x75: {  	[sflag:s17] =	ssyncset.done $0x0  }
0x76: {  	[sflag:s17] =	ssyncadd.s32 $0xFFFFEC00  }
0x77: {  	[tilespmem:s18], [sflag:$0x3] =	stream.linear.gather [hbm4b:s15+s26], $0x1400, $0x38;
	[tilespmem:$0x1E800] =	vst v63  }
0x78: {  	_ =	swait.ge [sflag:s17], $0x1400  }
0x79: {  	[sflag:s17] =	ssyncset.done $0x0  }
0x7a: {  	s28 =	simm.s32 $0x0;
	[sflag:s17] =	ssyncadd.s32 $0xFFFFEC00  }
0x7b: {  	[tilespmem:s16], [sflag:$0x1] =	stream.indirect.gather [hbm4b:s4+s19], $0x80, s28, s19, $0xb8;
	[tilespmem:$0x1E800] =	vst v63  }
0x7c: {  	s29 =	simm.s32 $0x80  }
0x7d: {  	[tilespmem:s20], [sflag:$0x2] =	stream.indirect.gather [hbm4b:s4+s19], $0x80, s29, s19, $0xb8;
	[tilespmem:$0x1E800] =	vst v63  }
0x7e: {  	_ =	swait.ge [sflag:s21], $0x4000  }
0x7f: {  	[sflag:s21] =	ssyncset.done $0x0  }
0x80: {  	s30 =	simm.s32 $0x1400;
	[sflag:s21] =	ssyncadd.s32 $0xFFFFC000  }
0x81: {  	[spmem:s2] =	stream.indirect.scatter.add.f32 [tilespmem:s16], [sflag:$0x3], $0x80, s30, s19, $0xb8;
	[tilespmem:$0x1E800] =	vst v63  }
0x82: {  	_ =	swait.ge [sflag:s17], $0x4000  }
0x83: {  	[sflag:s17] =	ssyncset.done $0x0  }
0x84: {  	[sflag:s17] =	ssyncadd.s32 $0xFFFFC000  }
0x85: {  	_ =	swait.ge [sflag:s22], $0x4000  }
0x86: {  	[sflag:s22] =	ssyncset.done $0x0  }
0x87: {  	s31 =	simm.s32 $0x1480;
	[sflag:s22] =	ssyncadd.s32 $0xFFFFC000  }
0x88: {  	[spmem:s2] =	stream.indirect.scatter.add.f32 [tilespmem:s20], [sflag:$0x3], $0x80, s31, s19, $0xb8;
	[tilespmem:$0x1E800] =	vst v63  }
0x89: {  	_ =	swait.ge [sflag:s17], $0x4000  }
0x8a: {  	s24 =	simm.s32 $0x800;
	s23 =	simm.s32 $0x400;
	[sflag:s17] =	ssyncset.done $0x0  }
.LBB2_6:
0x8b: {  	s25 =	sshra.s32 s23, $0x2  }
0x8c: {  	[sflag:s17] =	ssyncadd.s32 $0xFFFFC000;
	s23 =	smov.u32 s24;
	s26 =	sadd.s32 $0x400, s24  }
0x8d: {  	[tilespmem:s16], [sflag:$0x1] =	stream.indirect.gather [hbm4b:s4+s19], $0x80, s25, s19, $0xb8;
	[tilespmem:$0x1E800] =	vst v63  }
0x8e: {  	p0 =	sne.s32 s24, $0x4C00;
	s24 =	sadd.s32 $0x80, s25  }
0x8f: {  	[tilespmem:s20], [sflag:$0x2] =	stream.indirect.gather [hbm4b:s4+s19], $0x80, s24, s19, $0xb8;
	[tilespmem:$0x1E800] =	vst v63  }
0x90: {  	_ =	swait.ge [sflag:s21], $0x4000  }
0x91: {  	[sflag:s21] =	ssyncset.done $0x0  }
0x92: {  	s24 =	sadd.s32 $0x1400, s25;
	[sflag:s21] =	ssyncadd.s32 $0xFFFFC000  }
0x93: {  	[spmem:s2] =	stream.indirect.scatter.add.f32 [tilespmem:s16], [sflag:$0x3], $0x80, s24, s19, $0xb8;
	[tilespmem:$0x1E800] =	vst v63  }
0x94: {  	_ =	swait.ge [sflag:s17], $0x4000  }
0x95: {  	[sflag:s17] =	ssyncset.done $0x0  }
0x96: {  	[sflag:s17] =	ssyncadd.s32 $0xFFFFC000  }
0x97: {  	_ =	swait.ge [sflag:s22], $0x4000  }
.Ltmp2:
0x98: {  	[sflag:s22] =	ssyncset.done $0x0;
	(pc) =	sbr.rel @p0 .LBB2_6-.Ltmp2, $4  }
0x99: {  	s24 =	sadd.s32 $0x1480, s25;
	[sflag:s22] =	ssyncadd.s32 $0xFFFFC000  }
0x9a: {  	[spmem:s2] =	stream.indirect.scatter.add.f32 [tilespmem:s20], [sflag:$0x3], $0x80, s24, s19, $0xb8;
	[tilespmem:$0x1E800] =	vst v63  }
0x9b: {  	_ =	swait.ge [sflag:s17], $0x4000  }
0x9c: {  	s24 =	smov.u32 s26;
	[sflag:s17] =	ssyncset.done $0x0  }
0x9d: {  	s23 =	sshra.s32 s23, $0x2;
	[sflag:s17] =	ssyncadd.s32 $0xFFFFC000  }
0x9e: {  	[tilespmem:s16], [sflag:$0x1] =	stream.indirect.gather [hbm4b:s4+s19], $0x80, s23, s19, $0xb8;
	[tilespmem:$0x1E800] =	vst v63  }
0x9f: {  	s24 =	sadd.s32 $0x80, s23  }
0xa0: {  	[tilespmem:s20], [sflag:$0x2] =	stream.indirect.gather [hbm4b:s4+s19], $0x80, s24, s19, $0xb8;
	[tilespmem:$0x1E800] =	vst v63  }
0xa1: {  	_ =	swait.ge [sflag:s21], $0x4000  }
0xa2: {  	[sflag:s21] =	ssyncset.done $0x0  }
0xa3: {  	s29 =	sadd.s32 $0x1400, s23;
	[sflag:s21] =	ssyncadd.s32 $0xFFFFC000  }
0xa4: {  	[spmem:s2] =	stream.indirect.scatter.add.f32 [tilespmem:s16], [sflag:$0x3], $0x80, s29, s19, $0xb8;
	[tilespmem:$0x1E800] =	vst v63  }
0xa5: {  	_ =	swait.ge [sflag:s17], $0x4000  }
0xa6: {  	[sflag:s17] =	ssyncset.done $0x0  }
0xa7: {  	[sflag:s17] =	ssyncadd.s32 $0xFFFFC000  }
0xa8: {  	_ =	swait.ge [sflag:s22], $0x4000  }
0xa9: {  	[sflag:s22] =	ssyncset.done $0x0  }
0xaa: {  	s23 =	sadd.s32 $0x1480, s23;
	[sflag:s22] =	ssyncadd.s32 $0xFFFFC000  }
0xab: {  	[spmem:s2] =	stream.indirect.scatter.add.f32 [tilespmem:s20], [sflag:$0x3], $0x80, s23, s19, $0xb8;
	[tilespmem:$0x1E800] =	vst v63  }
0xac: {  	_ =	swait.ge [sflag:s17], $0x4000  }
0xad: {  	s30 =	sshll.u32 s1, $0x6;
	s3 =	sadd.s32 $0x1, s3;
	[sflag:s17] =	ssyncset.done $0x0  }
0xae: {  	s31 =	sshrl.u32 s5, $0x3;
	p0 =	sne.s32 s3, s11;
	[sflag:s17] =	ssyncadd.s32 $0xFFFFC000  }
.Ltmp3:
0xaf: {  	s23 =	sor.u32 $0x1C03, s30;
	[bflag:$0x0] =	sbarrier.arrive $0xFFFF;
	(pc) =	sbr.rel @p0 .LBB2_1-.Ltmp3, $4  }
0xb0: {  	[hbm:s10], [sflag:s23] =	dma.local [spmem:s31], $0x2800  }
0xb1: {  	_ =	swait.ge [sflag:s17], $0x2800  }
0xb2: {  	[sflag:s17] =	ssyncset.done $0x0  }
0xb3: {  	[sflag:s17] =	ssyncadd.s32 $0xFFFFD800  }
0xb4: {  	_ =	sfence.sel $0x180000  }
0xb5: {  	[bflag:$0x0] =	sbarrier.arrive $0xFFFF  }
0xb6: {  	p0 =	sne.s32 s1, $0x0;
	_ =	strace $0x9000004D  }
0xb7: {  	s0 =	sadd.s32 @!p0 $0x100000, s0;
	[bflag:$0x2] =	sbarrier.arrive $0xFFFF  }
0xb8: {  	[sflag:s0] =	ssyncadd.tile.s32 @!p0 $0x1;
	_ =	shalt  }
.Lfunc_end2:
_tile_overlayer_lowered:
.L_overlay_start_2:
0xb9: {  	(tag) =	ssettag $0x2  }
0xba: {  	s0 =	rddreg [dreg:$0x0];
	s2 =	stileid.u32  }
0xbb: {  	s1 =	rddreg [dreg:$0x1];
	p0 =	sne.s32 s2, $0x0  }
0xbc: {  	s3 =	rddreg [dreg:$0x2];
	[bflag:$0x3] =	sbarrier.arrive $0xFFFF;
	s2 =	simm.s32 @!p0 $0x1C03  }
0xbd: {  	[timem:s3], [sflag:s2] =	dma.local @!p0 [hbm:s0], s1  }
0xbe: {  	s0 =	simm.s32 @!p0 $0x3  }
0xbf: {  	_ =	swait.ge @!p0 [sflag:s0], s1  }
0xc0: {  	s1 =	ssub.s32 @!p0 $0x0, s1;
	[sflag:s0] =	ssyncset.done @!p0 $0x0  }
0xc1: {  	[sflag:s0] =	ssyncadd.s32 @!p0 s1  }
0xc2: {  	[bflag:$0x3] =	sbarrier.arrive $0xFFFF  }
0xc3: {  	_ =	shalt  }

</sc_bundles>
